<compile_context>
chip_gen: v7x
topology: tpu7x:2x2x1
jax: 0.10.2.dev20260603
libtpu: 0.0.44.dev20260713+nightly
codegen_flags: <defaults>
</compile_context>

<pallas_src>
import numpy as np

import jax
import jax.numpy as jnp
from jax import lax
from jax.experimental import pallas as pl
from jax.experimental.pallas import tpu as pltpu
from jax.experimental.pallas import tpu_sc as plsc

N = 10000
F_IN = 128
HID = 256
C_OUT = 64
E = 320000

NC, NS = 2, 16
NW = NC * NS
NACC = 10240
SLC = NACC // NS

EPP = 10240
EPAD = EPP * NW
CH = 128
NCH = EPP // CH
CH1 = 512

_MESH = plsc.VectorSubcoreMesh(
    core_axis_name="c", subcore_axis_name="s", num_cores=NC, num_subcores=NS)


DR = 128
DRS = DR // NS


def _deg_body(ei_hbm, zeros_hbm, iota_hbm, out_hbm,
              dstbuf_v, deg_v, idx80_v, accd):
    c = lax.axis_index("c")
    s = lax.axis_index("s")
    wid = c * NS + s
    pltpu.sync_copy(zeros_hbm, deg_v)
    pltpu.sync_copy(zeros_hbm.at[pl.ds(s * DRS, DRS)],
                    accd.at[pl.ds(s * DRS, DRS)])
    pltpu.sync_copy(iota_hbm, idx80_v)
    pltpu.sync_copy(ei_hbm.at[pl.ds(1, 1), pl.ds(wid * EPP, EPP)], dstbuf_v)
    ones = jnp.full((16,), 1.0, jnp.float32)

    def inner(j, carry):
        idx = dstbuf_v[0, pl.ds(j * 16, 16)]
        plsc.addupdate_scatter(
            deg_v,
            [lax.shift_right_logical(idx, 7), jnp.bitwise_and(idx, 127)],
            ones)
        return carry

    lax.fori_loop(0, EPP // 16, inner, 0, unroll=5)
    plsc.subcore_barrier()
    pltpu.sync_copy(deg_v, accd.at[idx80_v], add=True)
    plsc.subcore_barrier()
    pltpu.sync_copy(accd.at[pl.ds(s * DRS, DRS)],
                    out_hbm.at[pl.ds(c * DR + s * DRS, DRS)])


def _deg_partials(ei_p):
    zeros2d = jnp.zeros((DR, 128), jnp.float32)
    iota80 = jnp.arange(DR, dtype=jnp.int32)
    flat = pl.kernel(
        _deg_body,
        out_type=jax.ShapeDtypeStruct((NC * DR, 128), jnp.float32),
        mesh=_MESH,
        scratch_types=[
            pltpu.VMEM((1, EPP), jnp.int32),
            pltpu.VMEM((DR, 128), jnp.float32),
            pltpu.VMEM((DR,), jnp.int32),
            pltpu.VMEM_SHARED((DR, 128), jnp.float32),
        ],
        compiler_params=pltpu.CompilerParams(needs_layout_passes=False),
    )(ei_p, zeros2d, iota80)
    return flat


def _segsum_body(xs_hbm, ei_hbm, zrows_hbm, out_hbm,
                 i0, i1, i2, i3, i4, i5, i6, i7,
                 r0, r1, acc,
                 si0, si1, si2, si3, si4, si5, si6, si7,
                 sg0, sg1, ss0, ss1):
    isl = (i0, i1, i2, i3, i4, i5, i6, i7)
    isem = (si0, si1, si2, si3, si4, si5, si6, si7)
    rsl = (r0, r1)
    gsem = (sg0, sg1)
    ssem = (ss0, ss1)
    c = lax.axis_index("c")
    s = lax.axis_index("s")
    wid = c * NS + s
    ebase = wid * EPP

    def lstart(j, ib):
        pltpu.async_copy(
            ei_hbm.at[:, pl.ds(ebase + j * CH, CH)], isl[ib], isem[ib])

    def lwait(j, ib):
        pltpu.make_async_copy(
            ei_hbm.at[:, pl.ds(ebase + j * CH, CH)], isl[ib], isem[ib]).wait()

    def gstart(ib, rb):
        pltpu.async_copy(xs_hbm.at[isl[ib].at[0]], rsl[rb], gsem[rb])

    def gwait(ib, rb):
        pltpu.make_async_copy(
            xs_hbm.at[isl[ib].at[0]], rsl[rb], gsem[rb]).wait()

    def sstart(ib, rb):
        pltpu.async_copy(rsl[rb], acc.at[isl[ib].at[1]], ssem[rb], add=True)

    def swait(ib, rb):
        pltpu.make_async_copy(rsl[rb], acc.at[isl[ib].at[1]], ssem[rb]).wait()

    pltpu.sync_copy(zrows_hbm, acc.at[pl.ds(s * SLC, SLC)])
    plsc.subcore_barrier()

    for j in range(8):
        lstart(j, j)
    lwait(0, 0)
    gstart(0, 0)
    lwait(1, 1)
    gstart(1, 1)
    gwait(0, 0)
    sstart(0, 0)

    def main(k, carry):
        j0 = 1 + 8 * k
        for b in range(8):
            j = j0 + b
            lwait(j + 1, (2 + b) % 8)
            swait(b % 8, b % 2)
            gstart((2 + b) % 8, b % 2)
            gwait((1 + b) % 8, (1 + b) % 2)
            sstart((1 + b) % 8, (1 + b) % 2)
            lstart(j + 7, b)
        return carry

    lax.fori_loop(0, (NCH - 8) // 8, main, 0)

    for j in range(NCH - 7, NCH):
        if j + 1 < NCH:
            lwait(j + 1, (j + 1) % 8)
        swait((j - 1) % 8, (j - 1) % 2)
        if j + 1 < NCH:
            gstart((j + 1) % 8, (j + 1) % 2)
        gwait(j % 8, j % 2)
        sstart(j % 8, j % 2)
    swait((NCH - 1) % 8, (NCH - 1) % 2)

    plsc.subcore_barrier()
    off = c * NACC + s * SLC
    pltpu.sync_copy(acc.at[pl.ds(s * SLC, SLC)],
                    out_hbm.at[pl.ds(off, SLC)])


def _segsum(xs, ei):
    zrows = jnp.zeros((SLC, F_IN), jnp.float32)
    flat = pl.kernel(
        _segsum_body,
        out_type=jax.ShapeDtypeStruct((NC * NACC, F_IN), jnp.float32),
        mesh=_MESH,
        scratch_types=(
            [pltpu.VMEM((2, CH), jnp.int32)] * 8
            + [pltpu.VMEM((CH, F_IN), jnp.float32)] * 2
            + [pltpu.VMEM_SHARED((NACC, F_IN), jnp.float32)]
            + [pltpu.SemaphoreType.DMA] * 12
        ),
    )(xs, ei, zrows)
    return flat.reshape(NC, NACC, F_IN)


def _scale_body(x_ref, deg_ref, xs_ref, dis_ref):
    dis = lax.rsqrt(deg_ref[...] + 1.0)
    xs_ref[...] = x_ref[...] * dis
    dis_ref[...] = dis


def _scale(x, deg, blk=2000):
    grid = (pl.cdiv(N, blk),)
    return pl.pallas_call(
        _scale_body,
        grid=grid,
        in_specs=[
            pl.BlockSpec((blk, F_IN), lambda i: (i, 0)),
            pl.BlockSpec((blk, 1), lambda i: (i, 0)),
        ],
        out_specs=[
            pl.BlockSpec((blk, F_IN), lambda i: (i, 0)),
            pl.BlockSpec((blk, 1), lambda i: (i, 0)),
        ],
        out_shape=[
            jax.ShapeDtypeStruct((N, F_IN), jnp.float32),
            jax.ShapeDtypeStruct((N, 1), jnp.float32),
        ],
    )(x, deg)


def _post_body(p_ref, xs_ref, dis_ref, x_ref, w1_ref, b1_ref, gamma_ref,
               beta_ref, aw_ref, ab_ref, fw_ref, fb_ref, out_ref):
    pr = p_ref[...]
    xa = (pr[0] + pr[1] + xs_ref[...]) * dis_ref[...]
    agg = jnp.dot(xa, w1_ref[...], preferred_element_type=jnp.float32)
    agg = agg + b1_ref[...]
    mean = jnp.mean(agg, axis=1, keepdims=True)
    cent = agg - mean
    var = jnp.mean(cent * cent, axis=1, keepdims=True)
    hn = cent * lax.rsqrt(var + 1e-5) * gamma_ref[...] + beta_ref[...]
    hr = jnp.maximum(hn, 0.0)
    comb = jnp.concatenate([hr, x_ref[...]], axis=1)
    att = jax.nn.sigmoid(
        jnp.dot(comb, aw_ref[...], preferred_element_type=jnp.float32)
        + ab_ref[...])
    out_ref[...] = (
        jnp.dot(comb * att, fw_ref[...], preferred_element_type=jnp.float32)
        + fb_ref[...])


def _post(p, xs, dis, x, W1, b1, gamma, beta, attn_W, attn_b,
          fc_W, fc_b, blk=1000):
    grid = (pl.cdiv(N, blk),)
    full = lambda i: (0, 0)
    return pl.pallas_call(
        _post_body,
        grid=grid,
        in_specs=[
            pl.BlockSpec((NC, blk, F_IN), lambda i: (0, i, 0)),
            pl.BlockSpec((blk, F_IN), lambda i: (i, 0)),
            pl.BlockSpec((blk, 1), lambda i: (i, 0)),
            pl.BlockSpec((blk, F_IN), lambda i: (i, 0)),
            pl.BlockSpec((F_IN, HID), full),
            pl.BlockSpec((1, HID), full),
            pl.BlockSpec((1, HID), full),
            pl.BlockSpec((1, HID), full),
            pl.BlockSpec((HID + F_IN, 1), full),
            pl.BlockSpec((1, 1), full),
            pl.BlockSpec((HID + F_IN, C_OUT), full),
            pl.BlockSpec((1, C_OUT), full),
        ],
        out_specs=pl.BlockSpec((blk, C_OUT), lambda i: (i, 0)),
        out_shape=jax.ShapeDtypeStruct((N, C_OUT), jnp.float32),
    )(p, xs, dis, x, W1, b1, gamma, beta, attn_W, attn_b, fc_W, fc_b)


def kernel(x, edge_index, W1, b1, gamma, beta, attn_W, attn_b, fc_W, fc_b):
    ei = edge_index.astype(jnp.int32)
    npad = EPAD - ei.shape[1]
    ar = np.arange(npad, dtype=np.int32)
    pad = jnp.asarray(np.stack([ar % N, N + ar % (NACC - N)]))
    ei_p = jnp.concatenate([ei, pad], axis=1)

    deg_part = _deg_partials(ei_p)
    deg = (deg_part[:DR] + deg_part[DR:]).reshape(DR * 128, 1)[:N]
    xs, dis = _scale(x, deg)
    p = _segsum(xs, ei_p)
    return _post(
        p, xs, dis, x, W1,
        b1.reshape(1, HID), gamma.reshape(1, HID), beta.reshape(1, HID),
        attn_W, attn_b.reshape(1, 1), fc_W, fc_b.reshape(1, C_OUT))

# --- scband reference (transcript-rebuilt; emitter-appended) ---
"""Pipeline reference for scband-gcnn-concat-attention-3324304687693 (READ-ONLY COPY).

The authoritative reference and input builder live on the scoring server;
editing this copy changes nothing except your own understanding.
"""

import jax, jax.numpy as jnp
import numpy as np

N, F_IN, H, C, E = 10000, 128, 256, 64, 320000

def setup_inputs(seed: int = 0) -> dict:
    key = jax.random.key(seed)
    ks = jax.random.split(key, 10)
    x = jax.random.normal(ks[0], (N, F_IN), dtype=jnp.float32)
    edge_index = jax.random.randint(ks[1], (2, E), 0, N).astype(jnp.int64)
    W1 = jax.random.normal(ks[2], (F_IN, H), dtype=jnp.float32) * (1.0 / np.sqrt(F_IN))
    b1 = jnp.zeros((H,), dtype=jnp.float32)
    gamma = jnp.ones((H,), dtype=jnp.float32)
    beta = jnp.zeros((H,), dtype=jnp.float32)
    attn_W = jax.random.normal(ks[3], (H + F_IN, 1), dtype=jnp.float32) * (1.0 / np.sqrt(H + F_IN))
    attn_b = jnp.zeros((1,), dtype=jnp.float32)
    fc_W = jax.random.normal(ks[4], (H + F_IN, C), dtype=jnp.float32) * (1.0 / np.sqrt(H + F_IN))
    fc_b = jnp.zeros((C,), dtype=jnp.float32)
    return {"x": x, "edge_index": edge_index, "W1": W1, "b1": b1, "gamma": gamma, "beta": beta, "attn_W": attn_W, "attn_b": attn_b, "fc_W": fc_W, "fc_b": fc_b}

def reference(x, edge_index, W1, b1, gamma, beta, attn_W, attn_b, fc_W, fc_b):
    n = x.shape[0]
    # GCNConv: linear transform, add self-loops, symmetric normalization, scatter-add aggregation
    h = x @ W1
    loop = jnp.arange(n, dtype=edge_index.dtype)
    src = jnp.concatenate([edge_index[0], loop])
    dst = jnp.concatenate([edge_index[1], loop])
    deg = jnp.zeros((n,), dtype=h.dtype).at[dst].add(1.0)
    dis = jnp.where(deg > 0, deg ** -0.5, 0.0)
    norm = dis[src] * dis[dst]
    msg = h[src] * norm[:, None]
    agg = jnp.zeros_like(h).at[dst].add(msg) + b1
    # LayerNorm
    mean = agg.mean(axis=-1, keepdims=True)
    var = agg.var(axis=-1, keepdims=True)
    hn = (agg - mean) / jnp.sqrt(var + 1e-5) * gamma + beta
    hr = jax.nn.relu(hn)
    # dropout is identity at inference
    comb = jnp.concatenate([hr, x], axis=1)
    att = jax.nn.sigmoid(comb @ attn_W + attn_b)
    out = (comb * att) @ fc_W + fc_b
    return out

if __name__ == "__main__":
    import jax
    _d = setup_inputs()
    print(jax.jit(kernel)(*tuple(_d.values())))

</pallas_src>

<mosaic_0001>
#map = affine_map<(d0, d1) -> (0, 0)>
#map1 = affine_map<(d0, d1) -> (0)>
module attributes {stable_mosaic.version = 14 : i64} {
  func.func @_deg_body(%arg0: i32, %arg1: i32, %arg2: memref<2x327680xi32, #tpu.memory_space<hbm>>, %arg3: memref<128x128xf32, #tpu.memory_space<hbm>>, %arg4: memref<128xi32, #tpu.memory_space<hbm>>, %arg5: memref<256x128xf32, #tpu.memory_space<hbm>>, %arg6: memref<1x10240xi32, #tpu.memory_space<vmem>>, %arg7: memref<128x128xf32, #tpu.memory_space<vmem>>, %arg8: memref<128xi32, #tpu.memory_space<vmem>>, %arg9: memref<128x128xf32, #tpu.memory_space<vmem_shared>>) attributes {dimension_semantics = [#tpu.dimension_semantics<core_parallel>, #tpu.dimension_semantics<subcore_parallel>], iteration_bounds = array<i64: 2, 16>, scalar_prefetch = 0 : i64, scratch_operands = 4 : i64, tpu.core_type = #tpu.core_type<sc_vector_subcore>, window_params = [{transform_indices = #map}, {transform_indices = #map}, {transform_indices = #map1}, {transform_indices = #map}]} {
    %mul3A = arith.constant 16 : i32
    %mul3A_0 = arith.muli %arg0, %mul3A : i32
    %add3A = arith.addi %mul3A_0, %arg1 : i32
    "tpu.region"() ({
      %run_scoped3A = tpu.sem_alloc : memref<!tpu.dma_semaphore, #tpu.memory_space<semaphore_mem>>
      tpu.enqueue_dma source(%arg3 : memref<128x128xf32, #tpu.memory_space<hbm>>) target(%arg7 : memref<128x128xf32, #tpu.memory_space<vmem>>) target_semaphore(%run_scoped3A : memref<!tpu.dma_semaphore, #tpu.memory_space<semaphore_mem>>)
      tpu.wait_dma2 semaphore(%run_scoped3A : memref<!tpu.dma_semaphore, #tpu.memory_space<semaphore_mem>>) src(%arg3 : memref<128x128xf32, #tpu.memory_space<hbm>>) dst(%arg7 : memref<128x128xf32, #tpu.memory_space<vmem>>)
      tpu.yield
    }) : () -> ()
    %mul3A_1 = arith.constant 8 : i32
    %mul3A_2 = arith.muli %arg1, %mul3A_1 : i32
    %mul3A_3 = arith.constant 8 : i32
    %mul3A_4 = arith.muli %arg1, %mul3A_3 : i32
    "tpu.region"() ({
      %run_scoped3A = tpu.sem_alloc : memref<!tpu.dma_semaphore, #tpu.memory_space<semaphore_mem>>
      %dma_start3A = arith.constant 0 : i32
      %dma_start3A_21 = tpu.memref_slice %arg9[%mul3A_4, %dma_start3A] : memref<128x128xf32, #tpu.memory_space<vmem_shared>> -> memref<8x128xf32, #tpu.memory_space<vmem_shared>>
      %dma_start3A_22 = arith.constant 0 : i32
      %dma_start3A_23 = tpu.memref_slice %arg3[%mul3A_2, %dma_start3A_22] : memref<128x128xf32, #tpu.memory_space<hbm>> -> memref<8x128xf32, #tpu.memory_space<hbm>>
      tpu.enqueue_dma source(%dma_start3A_23 : memref<8x128xf32, #tpu.memory_space<hbm>>) target(%dma_start3A_21 : memref<8x128xf32, #tpu.memory_space<vmem_shared>>) target_semaphore(%run_scoped3A : memref<!tpu.dma_semaphore, #tpu.memory_space<semaphore_mem>>)
      %dma_wait3A = arith.constant 0 : i32
      %dma_wait3A_24 = tpu.memref_slice %arg9[%mul3A_4, %dma_wait3A] : memref<128x128xf32, #tpu.memory_space<vmem_shared>> -> memref<8x128xf32, #tpu.memory_space<vmem_shared>>
      %dma_wait3A_25 = arith.constant 0 : i32
      %dma_wait3A_26 = tpu.memref_slice %arg3[%mul3A_2, %dma_wait3A_25] : memref<128x128xf32, #tpu.memory_space<hbm>> -> memref<8x128xf32, #tpu.memory_space<hbm>>
      tpu.wait_dma2 semaphore(%run_scoped3A : memref<!tpu.dma_semaphore, #tpu.memory_space<semaphore_mem>>) src(%dma_wait3A_26 : memref<8x128xf32, #tpu.memory_space<hbm>>) dst(%dma_wait3A_24 : memref<8x128xf32, #tpu.memory_space<vmem_shared>>)
      tpu.yield
    }) : () -> ()
    "tpu.region"() ({
      %run_scoped3A = tpu.sem_alloc : memref<!tpu.dma_semaphore, #tpu.memory_space<semaphore_mem>>
      tpu.enqueue_dma source(%arg4 : memref<128xi32, #tpu.memory_space<hbm>>) target(%arg8 : memref<128xi32, #tpu.memory_space<vmem>>) target_semaphore(%run_scoped3A : memref<!tpu.dma_semaphore, #tpu.memory_space<semaphore_mem>>)
      tpu.wait_dma2 semaphore(%run_scoped3A : memref<!tpu.dma_semaphore, #tpu.memory_space<semaphore_mem>>) src(%arg4 : memref<128xi32, #tpu.memory_space<hbm>>) dst(%arg8 : memref<128xi32, #tpu.memory_space<vmem>>)
      tpu.yield
    }) : () -> ()
    %mul3A_5 = arith.constant 10240 : i32
    %mul3A_6 = arith.muli %add3A, %mul3A_5 : i32
    "tpu.region"() ({
      %run_scoped3A = tpu.sem_alloc : memref<!tpu.dma_semaphore, #tpu.memory_space<semaphore_mem>>
      %dma_start3A = arith.constant 1 : i32
      %dma_start3A_21 = tpu.memref_slice %arg2[%dma_start3A, %mul3A_6] : memref<2x327680xi32, #tpu.memory_space<hbm>> -> memref<1x10240xi32, #tpu.memory_space<hbm>>
      %dma_start3A_22 = arith.constant 1 : i32
      %dma_start3A_23 = tpu.memref_slice %arg2[%dma_start3A_22, %mul3A_6] : memref<2x327680xi32, #tpu.memory_space<hbm>> -> memref<1x10240xi32, #tpu.memory_space<hbm>>
      tpu.enqueue_dma source(%dma_start3A_23 : memref<1x10240xi32, #tpu.memory_space<hbm>>) target(%arg6 : memref<1x10240xi32, #tpu.memory_space<vmem>>) target_semaphore(%run_scoped3A : memref<!tpu.dma_semaphore, #tpu.memory_space<semaphore_mem>>)
      %dma_wait3A = arith.constant 1 : i32
      %dma_wait3A_24 = tpu.memref_slice %arg2[%dma_wait3A, %mul3A_6] : memref<2x327680xi32, #tpu.memory_space<hbm>> -> memref<1x10240xi32, #tpu.memory_space<hbm>>
      %dma_wait3A_25 = arith.constant 1 : i32
      %dma_wait3A_26 = tpu.memref_slice %arg2[%dma_wait3A_25, %mul3A_6] : memref<2x327680xi32, #tpu.memory_space<hbm>> -> memref<1x10240xi32, #tpu.memory_space<hbm>>
      tpu.wait_dma2 semaphore(%run_scoped3A : memref<!tpu.dma_semaphore, #tpu.memory_space<semaphore_mem>>) src(%dma_wait3A_26 : memref<1x10240xi32, #tpu.memory_space<hbm>>) dst(%arg6 : memref<1x10240xi32, #tpu.memory_space<vmem>>)
      tpu.yield
    }) : () -> ()
    %broadcast_in_dim3A = arith.constant 1.000000e+00 : f32
    %broadcast_in_dim3A_7 = vector.broadcast %broadcast_in_dim3A : f32 to vector<16xf32>
    %scan3A = arith.constant 0 : i32
    %scan3A_8 = arith.constant 0 : i32
    %scan3A_9 = arith.constant 640 : i32
    %scan3A_10 = arith.addi %scan3A_8, %scan3A_9 : i32
    %scan3A_11 = arith.constant 5 : i32
    scf.for %scan3A_21 = %scan3A_8 to %scan3A_10 step %scan3A_11  : i32 {
      %mul3A_22 = arith.constant 16 : i32
      %mul3A_23 = arith.muli %scan3A_21, %mul3A_22 : i32
      %get3A = arith.constant 0 : i32
      %get3A_24 = arith.index_cast %get3A : i32 to index
      %get3A_25 = arith.index_cast %mul3A_23 : i32 to index
      %get3A_26 = tpu.vector_load %arg6[%get3A_24, %get3A_25] {strides = array<i32>} : memref<1x10240xi32, #tpu.memory_space<vmem>>, vector<16xi32>,
      %shift_right_logical3A = arith.constant 7 : i32
      %shift_right_logical3A_27 = vector.broadcast %shift_right_logical3A : i32 to vector<16xi32>
      %shift_right_logical3A_28 = arith.shrui %get3A_26, %shift_right_logical3A_27 : vector<16xi32>
      %and3A = arith.constant 127 : i32
      %and3A_29 = vector.broadcast %and3A : i32 to vector<16xi32>
      %and3A_30 = arith.andi %get3A_26, %and3A_29 : vector<16xi32>
      tpu.vector_store_idx %arg7[%shift_right_logical3A_28, %and3A_30], %broadcast_in_dim3A_7 {add = true} : memref<128x128xf32, #tpu.memory_space<vmem>>[vector<16xi32>, vector<16xi32>], vector<16xf32>,
      %scan3A_31 = arith.constant 1 : i32
      %scan3A_32 = arith.addi %scan3A_21, %scan3A_31 : i32
      %mul3A_33 = arith.constant 16 : i32
      %mul3A_34 = arith.muli %scan3A_32, %mul3A_33 : i32
      %get3A_35 = arith.constant 0 : i32
      %get3A_36 = arith.index_cast %get3A_35 : i32 to index
      %get3A_37 = arith.index_cast %mul3A_34 : i32 to index
      %get3A_38 = tpu.vector_load %arg6[%get3A_36, %get3A_37] {strides = array<i32>} : memref<1x10240xi32, #tpu.memory_space<vmem>>, vector<16xi32>,
      %shift_right_logical3A_39 = arith.constant 7 : i32
      %shift_right_logical3A_40 = vector.broadcast %shift_right_logical3A_39 : i32 to vector<16xi32>
      %shift_right_logical3A_41 = arith.shrui %get3A_38, %shift_right_logical3A_40 : vector<16xi32>
      %and3A_42 = arith.constant 127 : i32
      %and3A_43 = vector.broadcast %and3A_42 : i32 to vector<16xi32>
      %and3A_44 = arith.andi %get3A_38, %and3A_43 : vector<16xi32>
      tpu.vector_store_idx %arg7[%shift_right_logical3A_41, %and3A_44], %broadcast_in_dim3A_7 {add = true} : memref<128x128xf32, #tpu.memory_space<vmem>>[vector<16xi32>, vector<16xi32>], vector<16xf32>,
      %scan3A_45 = arith.constant 2 : i32
      %scan3A_46 = arith.addi %scan3A_21, %scan3A_45 : i32
      %mul3A_47 = arith.constant 16 : i32
      %mul3A_48 = arith.muli %scan3A_46, %mul3A_47 : i32
      %get3A_49 = arith.constant 0 : i32
      %get3A_50 = arith.index_cast %get3A_49 : i32 to index
      %get3A_51 = arith.index_cast %mul3A_48 : i32 to index
      %get3A_52 = tpu.vector_load %arg6[%get3A_50, %get3A_51] {strides = array<i32>} : memref<1x10240xi32, #tpu.memory_space<vmem>>, vector<16xi32>,
      %shift_right_logical3A_53 = arith.constant 7 : i32
      %shift_right_logical3A_54 = vector.broadcast %shift_right_logical3A_53 : i32 to vector<16xi32>
      %shift_right_logical3A_55 = arith.shrui %get3A_52, %shift_right_logical3A_54 : vector<16xi32>
      %and3A_56 = arith.constant 127 : i32
      %and3A_57 = vector.broadcast %and3A_56 : i32 to vector<16xi32>
      %and3A_58 = arith.andi %get3A_52, %and3A_57 : vector<16xi32>
      tpu.vector_store_idx %arg7[%shift_right_logical3A_55, %and3A_58], %broadcast_in_dim3A_7 {add = true} : memref<128x128xf32, #tpu.memory_space<vmem>>[vector<16xi32>, vector<16xi32>], vector<16xf32>,
      %scan3A_59 = arith.constant 3 : i32
      %scan3A_60 = arith.addi %scan3A_21, %scan3A_59 : i32
      %mul3A_61 = arith.constant 16 : i32
      %mul3A_62 = arith.muli %scan3A_60, %mul3A_61 : i32
      %get3A_63 = arith.constant 0 : i32
      %get3A_64 = arith.index_cast %get3A_63 : i32 to index
      %get3A_65 = arith.index_cast %mul3A_62 : i32 to index
      %get3A_66 = tpu.vector_load %arg6[%get3A_64, %get3A_65] {strides = array<i32>} : memref<1x10240xi32, #tpu.memory_space<vmem>>, vector<16xi32>,
      %shift_right_logical3A_67 = arith.constant 7 : i32
      %shift_right_logical3A_68 = vector.broadcast %shift_right_logical3A_67 : i32 to vector<16xi32>
      %shift_right_logical3A_69 = arith.shrui %get3A_66, %shift_right_logical3A_68 : vector<16xi32>
      %and3A_70 = arith.constant 127 : i32
      %and3A_71 = vector.broadcast %and3A_70 : i32 to vector<16xi32>
      %and3A_72 = arith.andi %get3A_66, %and3A_71 : vector<16xi32>
      tpu.vector_store_idx %arg7[%shift_right_logical3A_69, %and3A_72], %broadcast_in_dim3A_7 {add = true} : memref<128x128xf32, #tpu.memory_space<vmem>>[vector<16xi32>, vector<16xi32>], vector<16xf32>,
      %scan3A_73 = arith.constant 4 : i32
      %scan3A_74 = arith.addi %scan3A_21, %scan3A_73 : i32
      %mul3A_75 = arith.constant 16 : i32
      %mul3A_76 = arith.muli %scan3A_74, %mul3A_75 : i32
      %get3A_77 = arith.constant 0 : i32
      %get3A_78 = arith.index_cast %get3A_77 : i32 to index
      %get3A_79 = arith.index_cast %mul3A_76 : i32 to index
      %get3A_80 = tpu.vector_load %arg6[%get3A_78, %get3A_79] {strides = array<i32>} : memref<1x10240xi32, #tpu.memory_space<vmem>>, vector<16xi32>,
      %shift_right_logical3A_81 = arith.constant 7 : i32
      %shift_right_logical3A_82 = vector.broadcast %shift_right_logical3A_81 : i32 to vector<16xi32>
      %shift_right_logical3A_83 = arith.shrui %get3A_80, %shift_right_logical3A_82 : vector<16xi32>
      %and3A_84 = arith.constant 127 : i32
      %and3A_85 = vector.broadcast %and3A_84 : i32 to vector<16xi32>
      %and3A_86 = arith.andi %get3A_80, %and3A_85 : vector<16xi32>
      tpu.vector_store_idx %arg7[%shift_right_logical3A_83, %and3A_86], %broadcast_in_dim3A_7 {add = true} : memref<128x128xf32, #tpu.memory_space<vmem>>[vector<16xi32>, vector<16xi32>], vector<16xf32>,
    }
    %scan3A_12 = arith.constant 640 : i32
    %barrier3A = arith.constant 0 : index
    tpu.barrier barrier_id(%barrier3A)
    "tpu.region"() ({
      %run_scoped3A = tpu.sem_alloc : memref<!tpu.dma_semaphore, #tpu.memory_space<semaphore_mem>>
      %dma_start3A = arith.constant 0 : i32
      %dma_start3A_21 = arith.constant 0 : i32
      %dma_start3A_22 = tpu.memref_slice %arg9[%dma_start3A, %dma_start3A_21] : memref<128x128xf32, #tpu.memory_space<vmem_shared>> -> memref<128x128xf32, #tpu.memory_space<vmem_shared>>
      tpu.enqueue_indirect_dma source(%arg7 : memref<128x128xf32, #tpu.memory_space<vmem>>) target(%dma_start3A_22 : memref<128x128xf32, #tpu.memory_space<vmem_shared>>) offsets(%arg8 : memref<128xi32, #tpu.memory_space<vmem>>) semaphore(%run_scoped3A : memref<!tpu.dma_semaphore, #tpu.memory_space<semaphore_mem>>) {add = true}
      %dma_wait3A = arith.constant 0 : i32
      %dma_wait3A_23 = arith.constant 0 : i32
      %dma_wait3A_24 = tpu.memref_slice %arg9[%dma_wait3A, %dma_wait3A_23] : memref<128x128xf32, #tpu.memory_space<vmem_shared>> -> memref<128x128xf32, #tpu.memory_space<vmem_shared>>
      tpu.wait_indirect_dma semaphore(%run_scoped3A : memref<!tpu.dma_semaphore, #tpu.memory_space<semaphore_mem>>) src(%arg7 : memref<128x128xf32, #tpu.memory_space<vmem>>) dst(%dma_wait3A_24 : memref<128x128xf32, #tpu.memory_space<vmem_shared>>)
      tpu.yield
    }) : () -> ()
    %barrier3A_13 = arith.constant 0 : index
    tpu.barrier barrier_id(%barrier3A_13)
    %mul3A_14 = arith.constant 8 : i32
    %mul3A_15 = arith.muli %arg1, %mul3A_14 : i32
    %mul3A_16 = arith.constant 128 : i32
    %mul3A_17 = arith.muli %arg0, %mul3A_16 : i32
    %mul3A_18 = arith.constant 8 : i32
    %mul3A_19 = arith.muli %arg1, %mul3A_18 : i32
    %add3A_20 = arith.addi %mul3A_17, %mul3A_19 : i32
    "tpu.region"() ({
      %run_scoped3A = tpu.sem_alloc : memref<!tpu.dma_semaphore, #tpu.memory_space<semaphore_mem>>
      %dma_start3A = arith.constant 0 : i32
      %dma_start3A_21 = tpu.memref_slice %arg5[%add3A_20, %dma_start3A] : memref<256x128xf32, #tpu.memory_space<hbm>> -> memref<8x128xf32, #tpu.memory_space<hbm>>
      %dma_start3A_22 = arith.constant 0 : i32
      %dma_start3A_23 = tpu.memref_slice %arg9[%mul3A_15, %dma_start3A_22] : memref<128x128xf32, #tpu.memory_space<vmem_shared>> -> memref<8x128xf32, #tpu.memory_space<vmem_shared>>
      tpu.enqueue_dma source(%dma_start3A_23 : memref<8x128xf32, #tpu.memory_space<vmem_shared>>) target(%dma_start3A_21 : memref<8x128xf32, #tpu.memory_space<hbm>>) target_semaphore(%run_scoped3A : memref<!tpu.dma_semaphore, #tpu.memory_space<semaphore_mem>>)
      %dma_wait3A = arith.constant 0 : i32
      %dma_wait3A_24 = tpu.memref_slice %arg5[%add3A_20, %dma_wait3A] : memref<256x128xf32, #tpu.memory_space<hbm>> -> memref<8x128xf32, #tpu.memory_space<hbm>>
      %dma_wait3A_25 = arith.constant 0 : i32
      %dma_wait3A_26 = tpu.memref_slice %arg9[%mul3A_15, %dma_wait3A_25] : memref<128x128xf32, #tpu.memory_space<vmem_shared>> -> memref<8x128xf32, #tpu.memory_space<vmem_shared>>
      tpu.wait_dma2 semaphore(%run_scoped3A : memref<!tpu.dma_semaphore, #tpu.memory_space<semaphore_mem>>) src(%dma_wait3A_26 : memref<8x128xf32, #tpu.memory_space<vmem_shared>>) dst(%dma_wait3A_24 : memref<8x128xf32, #tpu.memory_space<hbm>>)
      tpu.yield
    }) : () -> ()
    return
  }
}

#map = affine_map<(d0, d1) -> (0, 0)>
module attributes {stable_mosaic.version = 14 : i64} {
  func.func @_segsum_body(%arg0: i32, %arg1: i32, %arg2: memref<10000x128xf32, #tpu.memory_space<hbm>>, %arg3: memref<2x327680xi32, #tpu.memory_space<hbm>>, %arg4: memref<640x128xf32, #tpu.memory_space<hbm>>, %arg5: memref<20480x128xf32, #tpu.memory_space<hbm>>, %arg6: memref<2x128xi32, #tpu.memory_space<vmem>>, %arg7: memref<2x128xi32, #tpu.memory_space<vmem>>, %arg8: memref<2x128xi32, #tpu.memory_space<vmem>>, %arg9: memref<2x128xi32, #tpu.memory_space<vmem>>, %arg10: memref<2x128xi32, #tpu.memory_space<vmem>>, %arg11: memref<2x128xi32, #tpu.memory_space<vmem>>, %arg12: memref<2x128xi32, #tpu.memory_space<vmem>>, %arg13: memref<2x128xi32, #tpu.memory_space<vmem>>, %arg14: memref<128x128xf32, #tpu.memory_space<vmem>>, %arg15: memref<128x128xf32, #tpu.memory_space<vmem>>, %arg16: memref<10240x128xf32, #tpu.memory_space<vmem_shared>>, %arg17: memref<!tpu.dma_semaphore, #tpu.memory_space<semaphore_mem>>, %arg18: memref<!tpu.dma_semaphore, #tpu.memory_space<semaphore_mem>>, %arg19: memref<!tpu.dma_semaphore, #tpu.memory_space<semaphore_mem>>, %arg20: memref<!tpu.dma_semaphore, #tpu.memory_space<semaphore_mem>>, %arg21: memref<!tpu.dma_semaphore, #tpu.memory_space<semaphore_mem>>, %arg22: memref<!tpu.dma_semaphore, #tpu.memory_space<semaphore_mem>>, %arg23: memref<!tpu.dma_semaphore, #tpu.memory_space<semaphore_mem>>, %arg24: memref<!tpu.dma_semaphore, #tpu.memory_space<semaphore_mem>>, %arg25: memref<!tpu.dma_semaphore, #tpu.memory_space<semaphore_mem>>, %arg26: memref<!tpu.dma_semaphore, #tpu.memory_space<semaphore_mem>>, %arg27: memref<!tpu.dma_semaphore, #tpu.memory_space<semaphore_mem>>, %arg28: memref<!tpu.dma_semaphore, #tpu.memory_space<semaphore_mem>>) attributes {dimension_semantics = [#tpu.dimension_semantics<core_parallel>, #tpu.dimension_semantics<subcore_parallel>], iteration_bounds = array<i64: 2, 16>, scalar_prefetch = 0 : i64, scratch_operands = 23 : i64, tpu.core_type = #tpu.core_type<sc_vector_subcore>, window_params = [{transform_indices = #map}, {transform_indices = #map}, {transform_indices = #map}, {transform_indices = #map}]} {
    %mul3A = arith.constant 16 : i32
    %mul3A_0 = arith.muli %arg0, %mul3A : i32
    %add3A = arith.addi %mul3A_0, %arg1 : i32
    %mul3A_1 = arith.constant 10240 : i32
    %mul3A_2 = arith.muli %add3A, %mul3A_1 : i32
    %mul3A_3 = arith.constant 640 : i32
    %mul3A_4 = arith.muli %arg1, %mul3A_3 : i32
    "tpu.region"() ({
      %run_scoped3A = tpu.sem_alloc : memref<!tpu.dma_semaphore, #tpu.memory_space<semaphore_mem>>
      %dma_start3A_336 = arith.constant 0 : i32
      %dma_start3A_337 = tpu.memref_slice %arg16[%mul3A_4, %dma_start3A_336] : memref<10240x128xf32, #tpu.memory_space<vmem_shared>> -> memref<640x128xf32, #tpu.memory_space<vmem_shared>>
      tpu.enqueue_dma source(%arg4 : memref<640x128xf32, #tpu.memory_space<hbm>>) target(%dma_start3A_337 : memref<640x128xf32, #tpu.memory_space<vmem_shared>>) target_semaphore(%run_scoped3A : memref<!tpu.dma_semaphore, #tpu.memory_space<semaphore_mem>>)
      %dma_wait3A_338 = arith.constant 0 : i32
      %dma_wait3A_339 = tpu.memref_slice %arg16[%mul3A_4, %dma_wait3A_338] : memref<10240x128xf32, #tpu.memory_space<vmem_shared>> -> memref<640x128xf32, #tpu.memory_space<vmem_shared>>
      tpu.wait_dma2 semaphore(%run_scoped3A : memref<!tpu.dma_semaphore, #tpu.memory_space<semaphore_mem>>) src(%arg4 : memref<640x128xf32, #tpu.memory_space<hbm>>) dst(%dma_wait3A_339 : memref<640x128xf32, #tpu.memory_space<vmem_shared>>)
      tpu.yield
    }) : () -> ()
    %barrier3A = arith.constant 0 : index
    tpu.barrier barrier_id(%barrier3A)
    %add3A_5 = arith.constant 0 : i32
    %add3A_6 = arith.addi %mul3A_2, %add3A_5 : i32
    %dma_start3A = arith.constant 0 : i32
    %dma_start3A_7 = tpu.memref_slice %arg3[%dma_start3A, %add3A_6] : memref<2x327680xi32, #tpu.memory_space<hbm>> -> memref<2x128xi32, #tpu.memory_space<hbm>>
    %dma_start3A_8 = arith.constant 0 : i32
    %dma_start3A_9 = tpu.memref_slice %arg3[%dma_start3A_8, %add3A_6] : memref<2x327680xi32, #tpu.memory_space<hbm>> -> memref<2x128xi32, #tpu.memory_space<hbm>>
    tpu.enqueue_dma source(%dma_start3A_9 : memref<2x128xi32, #tpu.memory_space<hbm>>) target(%arg6 : memref<2x128xi32, #tpu.memory_space<vmem>>) target_semaphore(%arg17 : memref<!tpu.dma_semaphore, #tpu.memory_space<semaphore_mem>>)
    %add3A_10 = arith.constant 128 : i32
    %add3A_11 = arith.addi %mul3A_2, %add3A_10 : i32
    %dma_start3A_12 = arith.constant 0 : i32
    %dma_start3A_13 = tpu.memref_slice %arg3[%dma_start3A_12, %add3A_11] : memref<2x327680xi32, #tpu.memory_space<hbm>> -> memref<2x128xi32, #tpu.memory_space<hbm>>
    %dma_start3A_14 = arith.constant 0 : i32
    %dma_start3A_15 = tpu.memref_slice %arg3[%dma_start3A_14, %add3A_11] : memref<2x327680xi32, #tpu.memory_space<hbm>> -> memref<2x128xi32, #tpu.memory_space<hbm>>
    tpu.enqueue_dma source(%dma_start3A_15 : memref<2x128xi32, #tpu.memory_space<hbm>>) target(%arg7 : memref<2x128xi32, #tpu.memory_space<vmem>>) target_semaphore(%arg18 : memref<!tpu.dma_semaphore, #tpu.memory_space<semaphore_mem>>)
    %add3A_16 = arith.constant 256 : i32
    %add3A_17 = arith.addi %mul3A_2, %add3A_16 : i32
    %dma_start3A_18 = arith.constant 0 : i32
    %dma_start3A_19 = tpu.memref_slice %arg3[%dma_start3A_18, %add3A_17] : memref<2x327680xi32, #tpu.memory_space<hbm>> -> memref<2x128xi32, #tpu.memory_space<hbm>>
    %dma_start3A_20 = arith.constant 0 : i32
    %dma_start3A_21 = tpu.memref_slice %arg3[%dma_start3A_20, %add3A_17] : memref<2x327680xi32, #tpu.memory_space<hbm>> -> memref<2x128xi32, #tpu.memory_space<hbm>>
    tpu.enqueue_dma source(%dma_start3A_21 : memref<2x128xi32, #tpu.memory_space<hbm>>) target(%arg8 : memref<2x128xi32, #tpu.memory_space<vmem>>) target_semaphore(%arg19 : memref<!tpu.dma_semaphore, #tpu.memory_space<semaphore_mem>>)
    %add3A_22 = arith.constant 384 : i32
    %add3A_23 = arith.addi %mul3A_2, %add3A_22 : i32
    %dma_start3A_24 = arith.constant 0 : i32
    %dma_start3A_25 = tpu.memref_slice %arg3[%dma_start3A_24, %add3A_23] : memref<2x327680xi32, #tpu.memory_space<hbm>> -> memref<2x128xi32, #tpu.memory_space<hbm>>
    %dma_start3A_26 = arith.constant 0 : i32
    %dma_start3A_27 = tpu.memref_slice %arg3[%dma_start3A_26, %add3A_23] : memref<2x327680xi32, #tpu.memory_space<hbm>> -> memref<2x128xi32, #tpu.memory_space<hbm>>
    tpu.enqueue_dma source(%dma_start3A_27 : memref<2x128xi32, #tpu.memory_space<hbm>>) target(%arg9 : memref<2x128xi32, #tpu.memory_space<vmem>>) target_semaphore(%arg20 : memref<!tpu.dma_semaphore, #tpu.memory_space<semaphore_mem>>)
    %add3A_28 = arith.constant 512 : i32
    %add3A_29 = arith.addi %mul3A_2, %add3A_28 : i32
    %dma_start3A_30 = arith.constant 0 : i32
    %dma_start3A_31 = tpu.memref_slice %arg3[%dma_start3A_30, %add3A_29] : memref<2x327680xi32, #tpu.memory_space<hbm>> -> memref<2x128xi32, #tpu.memory_space<hbm>>
    %dma_start3A_32 = arith.constant 0 : i32
    %dma_start3A_33 = tpu.memref_slice %arg3[%dma_start3A_32, %add3A_29] : memref<2x327680xi32, #tpu.memory_space<hbm>> -> memref<2x128xi32, #tpu.memory_space<hbm>>
    tpu.enqueue_dma source(%dma_start3A_33 : memref<2x128xi32, #tpu.memory_space<hbm>>) target(%arg10 : memref<2x128xi32, #tpu.memory_space<vmem>>) target_semaphore(%arg21 : memref<!tpu.dma_semaphore, #tpu.memory_space<semaphore_mem>>)
    %add3A_34 = arith.constant 640 : i32
    %add3A_35 = arith.addi %mul3A_2, %add3A_34 : i32
    %dma_start3A_36 = arith.constant 0 : i32
    %dma_start3A_37 = tpu.memref_slice %arg3[%dma_start3A_36, %add3A_35] : memref<2x327680xi32, #tpu.memory_space<hbm>> -> memref<2x128xi32, #tpu.memory_space<hbm>>
    %dma_start3A_38 = arith.constant 0 : i32
    %dma_start3A_39 = tpu.memref_slice %arg3[%dma_start3A_38, %add3A_35] : memref<2x327680xi32, #tpu.memory_space<hbm>> -> memref<2x128xi32, #tpu.memory_space<hbm>>
    tpu.enqueue_dma source(%dma_start3A_39 : memref<2x128xi32, #tpu.memory_space<hbm>>) target(%arg11 : memref<2x128xi32, #tpu.memory_space<vmem>>) target_semaphore(%arg22 : memref<!tpu.dma_semaphore, #tpu.memory_space<semaphore_mem>>)
    %add3A_40 = arith.constant 768 : i32
    %add3A_41 = arith.addi %mul3A_2, %add3A_40 : i32
    %dma_start3A_42 = arith.constant 0 : i32
    %dma_start3A_43 = tpu.memref_slice %arg3[%dma_start3A_42, %add3A_41] : memref<2x327680xi32, #tpu.memory_space<hbm>> -> memref<2x128xi32, #tpu.memory_space<hbm>>
    %dma_start3A_44 = arith.constant 0 : i32
    %dma_start3A_45 = tpu.memref_slice %arg3[%dma_start3A_44, %add3A_41] : memref<2x327680xi32, #tpu.memory_space<hbm>> -> memref<2x128xi32, #tpu.memory_space<hbm>>
    tpu.enqueue_dma source(%dma_start3A_45 : memref<2x128xi32, #tpu.memory_space<hbm>>) target(%arg12 : memref<2x128xi32, #tpu.memory_space<vmem>>) target_semaphore(%arg23 : memref<!tpu.dma_semaphore, #tpu.memory_space<semaphore_mem>>)
    %add3A_46 = arith.constant 896 : i32
    %add3A_47 = arith.addi %mul3A_2, %add3A_46 : i32
    %dma_start3A_48 = arith.constant 0 : i32
    %dma_start3A_49 = tpu.memref_slice %arg3[%dma_start3A_48, %add3A_47] : memref<2x327680xi32, #tpu.memory_space<hbm>> -> memref<2x128xi32, #tpu.memory_space<hbm>>
    %dma_start3A_50 = arith.constant 0 : i32
    %dma_start3A_51 = tpu.memref_slice %arg3[%dma_start3A_50, %add3A_47] : memref<2x327680xi32, #tpu.memory_space<hbm>> -> memref<2x128xi32, #tpu.memory_space<hbm>>
    tpu.enqueue_dma source(%dma_start3A_51 : memref<2x128xi32, #tpu.memory_space<hbm>>) target(%arg13 : memref<2x128xi32, #tpu.memory_space<vmem>>) target_semaphore(%arg24 : memref<!tpu.dma_semaphore, #tpu.memory_space<semaphore_mem>>)
    %add3A_52 = arith.constant 0 : i32
    %add3A_53 = arith.addi %mul3A_2, %add3A_52 : i32
    %dma_wait3A = arith.constant 0 : i32
    %dma_wait3A_54 = tpu.memref_slice %arg3[%dma_wait3A, %add3A_53] : memref<2x327680xi32, #tpu.memory_space<hbm>> -> memref<2x128xi32, #tpu.memory_space<hbm>>
    %dma_wait3A_55 = arith.constant 0 : i32
    %dma_wait3A_56 = tpu.memref_slice %arg3[%dma_wait3A_55, %add3A_53] : memref<2x327680xi32, #tpu.memory_space<hbm>> -> memref<2x128xi32, #tpu.memory_space<hbm>>
    tpu.wait_dma2 semaphore(%arg17 : memref<!tpu.dma_semaphore, #tpu.memory_space<semaphore_mem>>) src(%dma_wait3A_56 : memref<2x128xi32, #tpu.memory_space<hbm>>) dst(%arg6 : memref<2x128xi32, #tpu.memory_space<vmem>>)
    %dma_start3A_57 = arith.constant 0 : i32
    %dma_start3A_58 = arith.constant 0 : i32
    %dma_start3A_59 = tpu.memref_slice %arg6[%dma_start3A_57, %dma_start3A_58] : memref<2x128xi32, #tpu.memory_space<vmem>> -> memref<1x128xi32, #tpu.memory_space<vmem>>
    %dma_start3A_60 = tpu.memref_squeeze %dma_start3A_59 : memref<1x128xi32, #tpu.memory_space<vmem>> -> memref<128xi32, #tpu.memory_space<vmem>>
    %dma_start3A_61 = arith.constant 0 : i32
    %dma_start3A_62 = arith.constant 0 : i32
    %dma_start3A_63 = tpu.memref_slice %arg2[%dma_start3A_61, %dma_start3A_62] : memref<10000x128xf32, #tpu.memory_space<hbm>> -> memref<10000x128xf32, #tpu.memory_space<hbm>>
    tpu.enqueue_indirect_dma source(%dma_start3A_63 : memref<10000x128xf32, #tpu.memory_space<hbm>>) target(%arg14 : memref<128x128xf32, #tpu.memory_space<vmem>>) offsets(%dma_start3A_60 : memref<128xi32, #tpu.memory_space<vmem>>) semaphore(%arg25 : memref<!tpu.dma_semaphore, #tpu.memory_space<semaphore_mem>>)
    %add3A_64 = arith.constant 128 : i32
    %add3A_65 = arith.addi %mul3A_2, %add3A_64 : i32
    %dma_wait3A_66 = arith.constant 0 : i32
    %dma_wait3A_67 = tpu.memref_slice %arg3[%dma_wait3A_66, %add3A_65] : memref<2x327680xi32, #tpu.memory_space<hbm>> -> memref<2x128xi32, #tpu.memory_space<hbm>>
    %dma_wait3A_68 = arith.constant 0 : i32
    %dma_wait3A_69 = tpu.memref_slice %arg3[%dma_wait3A_68, %add3A_65] : memref<2x327680xi32, #tpu.memory_space<hbm>> -> memref<2x128xi32, #tpu.memory_space<hbm>>
    tpu.wait_dma2 semaphore(%arg18 : memref<!tpu.dma_semaphore, #tpu.memory_space<semaphore_mem>>) src(%dma_wait3A_69 : memref<2x128xi32, #tpu.memory_space<hbm>>) dst(%arg7 : memref<2x128xi32, #tpu.memory_space<vmem>>)
    %dma_start3A_70 = arith.constant 0 : i32
    %dma_start3A_71 = arith.constant 0 : i32
    %dma_start3A_72 = tpu.memref_slice %arg7[%dma_start3A_70, %dma_start3A_71] : memref<2x128xi32, #tpu.memory_space<vmem>> -> memref<1x128xi32, #tpu.memory_space<vmem>>
    %dma_start3A_73 = tpu.memref_squeeze %dma_start3A_72 : memref<1x128xi32, #tpu.memory_space<vmem>> -> memref<128xi32, #tpu.memory_space<vmem>>
    %dma_start3A_74 = arith.constant 0 : i32
    %dma_start3A_75 = arith.constant 0 : i32
    %dma_start3A_76 = tpu.memref_slice %arg2[%dma_start3A_74, %dma_start3A_75] : memref<10000x128xf32, #tpu.memory_space<hbm>> -> memref<10000x128xf32, #tpu.memory_space<hbm>>
    tpu.enqueue_indirect_dma source(%dma_start3A_76 : memref<10000x128xf32, #tpu.memory_space<hbm>>) target(%arg15 : memref<128x128xf32, #tpu.memory_space<vmem>>) offsets(%dma_start3A_73 : memref<128xi32, #tpu.memory_space<vmem>>) semaphore(%arg26 : memref<!tpu.dma_semaphore, #tpu.memory_space<semaphore_mem>>)
    %dma_wait3A_77 = arith.constant 0 : i32
    %dma_wait3A_78 = arith.constant 0 : i32
    %dma_wait3A_79 = tpu.memref_slice %arg6[%dma_wait3A_77, %dma_wait3A_78] : memref<2x128xi32, #tpu.memory_space<vmem>> -> memref<1x128xi32, #tpu.memory_space<vmem>>
    %dma_wait3A_80 = tpu.memref_squeeze %dma_wait3A_79 : memref<1x128xi32, #tpu.memory_space<vmem>> -> memref<128xi32, #tpu.memory_space<vmem>>
    %dma_wait3A_81 = arith.constant 0 : i32
    %dma_wait3A_82 = arith.constant 0 : i32
    %dma_wait3A_83 = tpu.memref_slice %arg2[%dma_wait3A_81, %dma_wait3A_82] : memref<10000x128xf32, #tpu.memory_space<hbm>> -> memref<10000x128xf32, #tpu.memory_space<hbm>>
    tpu.wait_indirect_dma semaphore(%arg25 : memref<!tpu.dma_semaphore, #tpu.memory_space<semaphore_mem>>) src(%dma_wait3A_83 : memref<10000x128xf32, #tpu.memory_space<hbm>>) dst(%arg14 : memref<128x128xf32, #tpu.memory_space<vmem>>)
    %dma_start3A_84 = arith.constant 1 : i32
    %dma_start3A_85 = arith.constant 0 : i32
    %dma_start3A_86 = tpu.memref_slice %arg6[%dma_start3A_84, %dma_start3A_85] : memref<2x128xi32, #tpu.memory_space<vmem>> -> memref<1x128xi32, #tpu.memory_space<vmem>>
    %dma_start3A_87 = tpu.memref_squeeze %dma_start3A_86 : memref<1x128xi32, #tpu.memory_space<vmem>> -> memref<128xi32, #tpu.memory_space<vmem>>
    %dma_start3A_88 = arith.constant 0 : i32
    %dma_start3A_89 = arith.constant 0 : i32
    %dma_start3A_90 = tpu.memref_slice %arg16[%dma_start3A_88, %dma_start3A_89] : memref<10240x128xf32, #tpu.memory_space<vmem_shared>> -> memref<10240x128xf32, #tpu.memory_space<vmem_shared>>
    tpu.enqueue_indirect_dma source(%arg14 : memref<128x128xf32, #tpu.memory_space<vmem>>) target(%dma_start3A_90 : memref<10240x128xf32, #tpu.memory_space<vmem_shared>>) offsets(%dma_start3A_87 : memref<128xi32, #tpu.memory_space<vmem>>) semaphore(%arg27 : memref<!tpu.dma_semaphore, #tpu.memory_space<semaphore_mem>>) {add = true}
    %scan3A = arith.constant 0 : i32
    %scan3A_91 = arith.constant 0 : i32
    %scan3A_92 = arith.constant 9 : i32
    %scan3A_93 = arith.addi %scan3A_91, %scan3A_92 : i32
    %scan3A_94 = arith.constant 1 : i32
    scf.for %scan3A_336 = %scan3A_91 to %scan3A_93 step %scan3A_94  : i32 {
      %mul3A_337 = arith.constant 8 : i32
      %mul3A_338 = arith.muli %mul3A_337, %scan3A_336 : i32
      %add3A_339 = arith.constant 1 : i32
      %add3A_340 = arith.addi %add3A_339, %mul3A_338 : i32
      %add3A_341 = arith.constant 0 : i32
      %add3A_342 = arith.addi %add3A_340, %add3A_341 : i32
      %add3A_343 = arith.constant 1 : i32
      %add3A_344 = arith.addi %add3A_342, %add3A_343 : i32
      %mul3A_345 = arith.constant 128 : i32
      %mul3A_346 = arith.muli %add3A_344, %mul3A_345 : i32
      %add3A_347 = arith.addi %mul3A_2, %mul3A_346 : i32
      %dma_wait3A_348 = arith.constant 0 : i32
      %dma_wait3A_349 = tpu.memref_slice %arg3[%dma_wait3A_348, %add3A_347] : memref<2x327680xi32, #tpu.memory_space<hbm>> -> memref<2x128xi32, #tpu.memory_space<hbm>>
      %dma_wait3A_350 = arith.constant 0 : i32
      %dma_wait3A_351 = tpu.memref_slice %arg3[%dma_wait3A_350, %add3A_347] : memref<2x327680xi32, #tpu.memory_space<hbm>> -> memref<2x128xi32, #tpu.memory_space<hbm>>
      tpu.wait_dma2 semaphore(%arg19 : memref<!tpu.dma_semaphore, #tpu.memory_space<semaphore_mem>>) src(%dma_wait3A_351 : memref<2x128xi32, #tpu.memory_space<hbm>>) dst(%arg8 : memref<2x128xi32, #tpu.memory_space<vmem>>)
      %dma_wait3A_352 = arith.constant 1 : i32
      %dma_wait3A_353 = arith.constant 0 : i32
      %dma_wait3A_354 = tpu.memref_slice %arg6[%dma_wait3A_352, %dma_wait3A_353] : memref<2x128xi32, #tpu.memory_space<vmem>> -> memref<1x128xi32, #tpu.memory_space<vmem>>
      %dma_wait3A_355 = tpu.memref_squeeze %dma_wait3A_354 : memref<1x128xi32, #tpu.memory_space<vmem>> -> memref<128xi32, #tpu.memory_space<vmem>>
      %dma_wait3A_356 = arith.constant 0 : i32
      %dma_wait3A_357 = arith.constant 0 : i32
      %dma_wait3A_358 = tpu.memref_slice %arg16[%dma_wait3A_356, %dma_wait3A_357] : memref<10240x128xf32, #tpu.memory_space<vmem_shared>> -> memref<10240x128xf32, #tpu.memory_space<vmem_shared>>
      tpu.wait_indirect_dma semaphore(%arg27 : memref<!tpu.dma_semaphore, #tpu.memory_space<semaphore_mem>>) src(%arg14 : memref<128x128xf32, #tpu.memory_space<vmem>>) dst(%dma_wait3A_358 : memref<10240x128xf32, #tpu.memory_space<vmem_shared>>)
      %dma_start3A_359 = arith.constant 0 : i32
      %dma_start3A_360 = arith.constant 0 : i32
      %dma_start3A_361 = tpu.memref_slice %arg8[%dma_start3A_359, %dma_start3A_360] : memref<2x128xi32, #tpu.memory_space<vmem>> -> memref<1x128xi32, #tpu.memory_space<vmem>>
      %dma_start3A_362 = tpu.memref_squeeze %dma_start3A_361 : memref<1x128xi32, #tpu.memory_space<vmem>> -> memref<128xi32, #tpu.memory_space<vmem>>
      %dma_start3A_363 = arith.constant 0 : i32
      %dma_start3A_364 = arith.constant 0 : i32
      %dma_start3A_365 = tpu.memref_slice %arg2[%dma_start3A_363, %dma_start3A_364] : memref<10000x128xf32, #tpu.memory_space<hbm>> -> memref<10000x128xf32, #tpu.memory_space<hbm>>
      tpu.enqueue_indirect_dma source(%dma_start3A_365 : memref<10000x128xf32, #tpu.memory_space<hbm>>) target(%arg14 : memref<128x128xf32, #tpu.memory_space<vmem>>) offsets(%dma_start3A_362 : memref<128xi32, #tpu.memory_space<vmem>>) semaphore(%arg25 : memref<!tpu.dma_semaphore, #tpu.memory_space<semaphore_mem>>)
      %dma_wait3A_366 = arith.constant 0 : i32
      %dma_wait3A_367 = arith.constant 0 : i32
      %dma_wait3A_368 = tpu.memref_slice %arg7[%dma_wait3A_366, %dma_wait3A_367] : memref<2x128xi32, #tpu.memory_space<vmem>> -> memref<1x128xi32, #tpu.memory_space<vmem>>
      %dma_wait3A_369 = tpu.memref_squeeze %dma_wait3A_368 : memref<1x128xi32, #tpu.memory_space<vmem>> -> memref<128xi32, #tpu.memory_space<vmem>>
      %dma_wait3A_370 = arith.constant 0 : i32
      %dma_wait3A_371 = arith.constant 0 : i32
      %dma_wait3A_372 = tpu.memref_slice %arg2[%dma_wait3A_370, %dma_wait3A_371] : memref<10000x128xf32, #tpu.memory_space<hbm>> -> memref<10000x128xf32, #tpu.memory_space<hbm>>
      tpu.wait_indirect_dma semaphore(%arg26 : memref<!tpu.dma_semaphore, #tpu.memory_space<semaphore_mem>>) src(%dma_wait3A_372 : memref<10000x128xf32, #tpu.memory_space<hbm>>) dst(%arg15 : memref<128x128xf32, #tpu.memory_space<vmem>>)
      %dma_start3A_373 = arith.constant 1 : i32
      %dma_start3A_374 = arith.constant 0 : i32
      %dma_start3A_375 = tpu.memref_slice %arg7[%dma_start3A_373, %dma_start3A_374] : memref<2x128xi32, #tpu.memory_space<vmem>> -> memref<1x128xi32, #tpu.memory_space<vmem>>
      %dma_start3A_376 = tpu.memref_squeeze %dma_start3A_375 : memref<1x128xi32, #tpu.memory_space<vmem>> -> memref<128xi32, #tpu.memory_space<vmem>>
      %dma_start3A_377 = arith.constant 0 : i32
      %dma_start3A_378 = arith.constant 0 : i32
      %dma_start3A_379 = tpu.memref_slice %arg16[%dma_start3A_377, %dma_start3A_378] : memref<10240x128xf32, #tpu.memory_space<vmem_shared>> -> memref<10240x128xf32, #tpu.memory_space<vmem_shared>>
      tpu.enqueue_indirect_dma source(%arg15 : memref<128x128xf32, #tpu.memory_space<vmem>>) target(%dma_start3A_379 : memref<10240x128xf32, #tpu.memory_space<vmem_shared>>) offsets(%dma_start3A_376 : memref<128xi32, #tpu.memory_space<vmem>>) semaphore(%arg28 : memref<!tpu.dma_semaphore, #tpu.memory_space<semaphore_mem>>) {add = true}
      %add3A_380 = arith.constant 7 : i32
      %add3A_381 = arith.addi %add3A_342, %add3A_380 : i32
      %mul3A_382 = arith.constant 128 : i32
      %mul3A_383 = arith.muli %add3A_381, %mul3A_382 : i32
      %add3A_384 = arith.addi %mul3A_2, %mul3A_383 : i32
      %dma_start3A_385 = arith.constant 0 : i32
      %dma_start3A_386 = tpu.memref_slice %arg3[%dma_start3A_385, %add3A_384] : memref<2x327680xi32, #tpu.memory_space<hbm>> -> memref<2x128xi32, #tpu.memory_space<hbm>>
      %dma_start3A_387 = arith.constant 0 : i32
      %dma_start3A_388 = tpu.memref_slice %arg3[%dma_start3A_387, %add3A_384] : memref<2x327680xi32, #tpu.memory_space<hbm>> -> memref<2x128xi32, #tpu.memory_space<hbm>>
      tpu.enqueue_dma source(%dma_start3A_388 : memref<2x128xi32, #tpu.memory_space<hbm>>) target(%arg6 : memref<2x128xi32, #tpu.memory_space<vmem>>) target_semaphore(%arg17 : memref<!tpu.dma_semaphore, #tpu.memory_space<semaphore_mem>>)
      %add3A_389 = arith.constant 1 : i32
      %add3A_390 = arith.addi %add3A_340, %add3A_389 : i32
      %add3A_391 = arith.constant 1 : i32
      %add3A_392 = arith.addi %add3A_390, %add3A_391 : i32
      %mul3A_393 = arith.constant 128 : i32
      %mul3A_394 = arith.muli %add3A_392, %mul3A_393 : i32
      %add3A_395 = arith.addi %mul3A_2, %mul3A_394 : i32
      %dma_wait3A_396 = arith.constant 0 : i32
      %dma_wait3A_397 = tpu.memref_slice %arg3[%dma_wait3A_396, %add3A_395] : memref<2x327680xi32, #tpu.memory_space<hbm>> -> memref<2x128xi32, #tpu.memory_space<hbm>>
      %dma_wait3A_398 = arith.constant 0 : i32
      %dma_wait3A_399 = tpu.memref_slice %arg3[%dma_wait3A_398, %add3A_395] : memref<2x327680xi32, #tpu.memory_space<hbm>> -> memref<2x128xi32, #tpu.memory_space<hbm>>
      tpu.wait_dma2 semaphore(%arg20 : memref<!tpu.dma_semaphore, #tpu.memory_space<semaphore_mem>>) src(%dma_wait3A_399 : memref<2x128xi32, #tpu.memory_space<hbm>>) dst(%arg9 : memref<2x128xi32, #tpu.memory_space<vmem>>)
      %dma_wait3A_400 = arith.constant 1 : i32
      %dma_wait3A_401 = arith.constant 0 : i32
      %dma_wait3A_402 = tpu.memref_slice %arg7[%dma_wait3A_400, %dma_wait3A_401] : memref<2x128xi32, #tpu.memory_space<vmem>> -> memref<1x128xi32, #tpu.memory_space<vmem>>
      %dma_wait3A_403 = tpu.memref_squeeze %dma_wait3A_402 : memref<1x128xi32, #tpu.memory_space<vmem>> -> memref<128xi32, #tpu.memory_space<vmem>>
      %dma_wait3A_404 = arith.constant 0 : i32
      %dma_wait3A_405 = arith.constant 0 : i32
      %dma_wait3A_406 = tpu.memref_slice %arg16[%dma_wait3A_404, %dma_wait3A_405] : memref<10240x128xf32, #tpu.memory_space<vmem_shared>> -> memref<10240x128xf32, #tpu.memory_space<vmem_shared>>
      tpu.wait_indirect_dma semaphore(%arg28 : memref<!tpu.dma_semaphore, #tpu.memory_space<semaphore_mem>>) src(%arg15 : memref<128x128xf32, #tpu.memory_space<vmem>>) dst(%dma_wait3A_406 : memref<10240x128xf32, #tpu.memory_space<vmem_shared>>)
      %dma_start3A_407 = arith.constant 0 : i32
      %dma_start3A_408 = arith.constant 0 : i32
      %dma_start3A_409 = tpu.memref_slice %arg9[%dma_start3A_407, %dma_start3A_408] : memref<2x128xi32, #tpu.memory_space<vmem>> -> memref<1x128xi32, #tpu.memory_space<vmem>>
      %dma_start3A_410 = tpu.memref_squeeze %dma_start3A_409 : memref<1x128xi32, #tpu.memory_space<vmem>> -> memref<128xi32, #tpu.memory_space<vmem>>
      %dma_start3A_411 = arith.constant 0 : i32
      %dma_start3A_412 = arith.constant 0 : i32
      %dma_start3A_413 = tpu.memref_slice %arg2[%dma_start3A_411, %dma_start3A_412] : memref<10000x128xf32, #tpu.memory_space<hbm>> -> memref<10000x128xf32, #tpu.memory_space<hbm>>
      tpu.enqueue_indirect_dma source(%dma_start3A_413 : memref<10000x128xf32, #tpu.memory_space<hbm>>) target(%arg15 : memref<128x128xf32, #tpu.memory_space<vmem>>) offsets(%dma_start3A_410 : memref<128xi32, #tpu.memory_space<vmem>>) semaphore(%arg26 : memref<!tpu.dma_semaphore, #tpu.memory_space<semaphore_mem>>)
      %dma_wait3A_414 = arith.constant 0 : i32
      %dma_wait3A_415 = arith.constant 0 : i32
      %dma_wait3A_416 = tpu.memref_slice %arg8[%dma_wait3A_414, %dma_wait3A_415] : memref<2x128xi32, #tpu.memory_space<vmem>> -> memref<1x128xi32, #tpu.memory_space<vmem>>
      %dma_wait3A_417 = tpu.memref_squeeze %dma_wait3A_416 : memref<1x128xi32, #tpu.memory_space<vmem>> -> memref<128xi32, #tpu.memory_space<vmem>>
      %dma_wait3A_418 = arith.constant 0 : i32
      %dma_wait3A_419 = arith.constant 0 : i32
      %dma_wait3A_420 = tpu.memref_slice %arg2[%dma_wait3A_418, %dma_wait3A_419] : memref<10000x128xf32, #tpu.memory_space<hbm>> -> memref<10000x128xf32, #tpu.memory_space<hbm>>
      tpu.wait_indirect_dma semaphore(%arg25 : memref<!tpu.dma_semaphore, #tpu.memory_space<semaphore_mem>>) src(%dma_wait3A_420 : memref<10000x128xf32, #tpu.memory_space<hbm>>) dst(%arg14 : memref<128x128xf32, #tpu.memory_space<vmem>>)
      %dma_start3A_421 = arith.constant 1 : i32
      %dma_start3A_422 = arith.constant 0 : i32
      %dma_start3A_423 = tpu.memref_slice %arg8[%dma_start3A_421, %dma_start3A_422] : memref<2x128xi32, #tpu.memory_space<vmem>> -> memref<1x128xi32, #tpu.memory_space<vmem>>
      %dma_start3A_424 = tpu.memref_squeeze %dma_start3A_423 : memref<1x128xi32, #tpu.memory_space<vmem>> -> memref<128xi32, #tpu.memory_space<vmem>>
      %dma_start3A_425 = arith.constant 0 : i32
      %dma_start3A_426 = arith.constant 0 : i32
      %dma_start3A_427 = tpu.memref_slice %arg16[%dma_start3A_425, %dma_start3A_426] : memref<10240x128xf32, #tpu.memory_space<vmem_shared>> -> memref<10240x128xf32, #tpu.memory_space<vmem_shared>>
      tpu.enqueue_indirect_dma source(%arg14 : memref<128x128xf32, #tpu.memory_space<vmem>>) target(%dma_start3A_427 : memref<10240x128xf32, #tpu.memory_space<vmem_shared>>) offsets(%dma_start3A_424 : memref<128xi32, #tpu.memory_space<vmem>>) semaphore(%arg27 : memref<!tpu.dma_semaphore, #tpu.memory_space<semaphore_mem>>) {add = true}
      %add3A_428 = arith.constant 7 : i32
      %add3A_429 = arith.addi %add3A_390, %add3A_428 : i32
      %mul3A_430 = arith.constant 128 : i32
      %mul3A_431 = arith.muli %add3A_429, %mul3A_430 : i32
      %add3A_432 = arith.addi %mul3A_2, %mul3A_431 : i32
      %dma_start3A_433 = arith.constant 0 : i32
      %dma_start3A_434 = tpu.memref_slice %arg3[%dma_start3A_433, %add3A_432] : memref<2x327680xi32, #tpu.memory_space<hbm>> -> memref<2x128xi32, #tpu.memory_space<hbm>>
      %dma_start3A_435 = arith.constant 0 : i32
      %dma_start3A_436 = tpu.memref_slice %arg3[%dma_start3A_435, %add3A_432] : memref<2x327680xi32, #tpu.memory_space<hbm>> -> memref<2x128xi32, #tpu.memory_space<hbm>>
      tpu.enqueue_dma source(%dma_start3A_436 : memref<2x128xi32, #tpu.memory_space<hbm>>) target(%arg7 : memref<2x128xi32, #tpu.memory_space<vmem>>) target_semaphore(%arg18 : memref<!tpu.dma_semaphore, #tpu.memory_space<semaphore_mem>>)
      %add3A_437 = arith.constant 2 : i32
      %add3A_438 = arith.addi %add3A_340, %add3A_437 : i32
      %add3A_439 = arith.constant 1 : i32
      %add3A_440 = arith.addi %add3A_438, %add3A_439 : i32
      %mul3A_441 = arith.constant 128 : i32
      %mul3A_442 = arith.muli %add3A_440, %mul3A_441 : i32
      %add3A_443 = arith.addi %mul3A_2, %mul3A_442 : i32
      %dma_wait3A_444 = arith.constant 0 : i32
      %dma_wait3A_445 = tpu.memref_slice %arg3[%dma_wait3A_444, %add3A_443] : memref<2x327680xi32, #tpu.memory_space<hbm>> -> memref<2x128xi32, #tpu.memory_space<hbm>>
      %dma_wait3A_446 = arith.constant 0 : i32
      %dma_wait3A_447 = tpu.memref_slice %arg3[%dma_wait3A_446, %add3A_443] : memref<2x327680xi32, #tpu.memory_space<hbm>> -> memref<2x128xi32, #tpu.memory_space<hbm>>
      tpu.wait_dma2 semaphore(%arg21 : memref<!tpu.dma_semaphore, #tpu.memory_space<semaphore_mem>>) src(%dma_wait3A_447 : memref<2x128xi32, #tpu.memory_space<hbm>>) dst(%arg10 : memref<2x128xi32, #tpu.memory_space<vmem>>)
      %dma_wait3A_448 = arith.constant 1 : i32
      %dma_wait3A_449 = arith.constant 0 : i32
      %dma_wait3A_450 = tpu.memref_slice %arg8[%dma_wait3A_448, %dma_wait3A_449] : memref<2x128xi32, #tpu.memory_space<vmem>> -> memref<1x128xi32, #tpu.memory_space<vmem>>
      %dma_wait3A_451 = tpu.memref_squeeze %dma_wait3A_450 : memref<1x128xi32, #tpu.memory_space<vmem>> -> memref<128xi32, #tpu.memory_space<vmem>>
      %dma_wait3A_452 = arith.constant 0 : i32
      %dma_wait3A_453 = arith.constant 0 : i32
      %dma_wait3A_454 = tpu.memref_slice %arg16[%dma_wait3A_452, %dma_wait3A_453] : memref<10240x128xf32, #tpu.memory_space<vmem_shared>> -> memref<10240x128xf32, #tpu.memory_space<vmem_shared>>
      tpu.wait_indirect_dma semaphore(%arg27 : memref<!tpu.dma_semaphore, #tpu.memory_space<semaphore_mem>>) src(%arg14 : memref<128x128xf32, #tpu.memory_space<vmem>>) dst(%dma_wait3A_454 : memref<10240x128xf32, #tpu.memory_space<vmem_shared>>)
      %dma_start3A_455 = arith.constant 0 : i32
      %dma_start3A_456 = arith.constant 0 : i32
      %dma_start3A_457 = tpu.memref_slice %arg10[%dma_start3A_455, %dma_start3A_456] : memref<2x128xi32, #tpu.memory_space<vmem>> -> memref<1x128xi32, #tpu.memory_space<vmem>>
      %dma_start3A_458 = tpu.memref_squeeze %dma_start3A_457 : memref<1x128xi32, #tpu.memory_space<vmem>> -> memref<128xi32, #tpu.memory_space<vmem>>
      %dma_start3A_459 = arith.constant 0 : i32
      %dma_start3A_460 = arith.constant 0 : i32
      %dma_start3A_461 = tpu.memref_slice %arg2[%dma_start3A_459, %dma_start3A_460] : memref<10000x128xf32, #tpu.memory_space<hbm>> -> memref<10000x128xf32, #tpu.memory_space<hbm>>
      tpu.enqueue_indirect_dma source(%dma_start3A_461 : memref<10000x128xf32, #tpu.memory_space<hbm>>) target(%arg14 : memref<128x128xf32, #tpu.memory_space<vmem>>) offsets(%dma_start3A_458 : memref<128xi32, #tpu.memory_space<vmem>>) semaphore(%arg25 : memref<!tpu.dma_semaphore, #tpu.memory_space<semaphore_mem>>)
      %dma_wait3A_462 = arith.constant 0 : i32
      %dma_wait3A_463 = arith.constant 0 : i32
      %dma_wait3A_464 = tpu.memref_slice %arg9[%dma_wait3A_462, %dma_wait3A_463] : memref<2x128xi32, #tpu.memory_space<vmem>> -> memref<1x128xi32, #tpu.memory_space<vmem>>
      %dma_wait3A_465 = tpu.memref_squeeze %dma_wait3A_464 : memref<1x128xi32, #tpu.memory_space<vmem>> -> memref<128xi32, #tpu.memory_space<vmem>>
      %dma_wait3A_466 = arith.constant 0 : i32
      %dma_wait3A_467 = arith.constant 0 : i32
      %dma_wait3A_468 = tpu.memref_slice %arg2[%dma_wait3A_466, %dma_wait3A_467] : memref<10000x128xf32, #tpu.memory_space<hbm>> -> memref<10000x128xf32, #tpu.memory_space<hbm>>
      tpu.wait_indirect_dma semaphore(%arg26 : memref<!tpu.dma_semaphore, #tpu.memory_space<semaphore_mem>>) src(%dma_wait3A_468 : memref<10000x128xf32, #tpu.memory_space<hbm>>) dst(%arg15 : memref<128x128xf32, #tpu.memory_space<vmem>>)
      %dma_start3A_469 = arith.constant 1 : i32
      %dma_start3A_470 = arith.constant 0 : i32
      %dma_start3A_471 = tpu.memref_slice %arg9[%dma_start3A_469, %dma_start3A_470] : memref<2x128xi32, #tpu.memory_space<vmem>> -> memref<1x128xi32, #tpu.memory_space<vmem>>
      %dma_start3A_472 = tpu.memref_squeeze %dma_start3A_471 : memref<1x128xi32, #tpu.memory_space<vmem>> -> memref<128xi32, #tpu.memory_space<vmem>>
      %dma_start3A_473 = arith.constant 0 : i32
      %dma_start3A_474 = arith.constant 0 : i32
      %dma_start3A_475 = tpu.memref_slice %arg16[%dma_start3A_473, %dma_start3A_474] : memref<10240x128xf32, #tpu.memory_space<vmem_shared>> -> memref<10240x128xf32, #tpu.memory_space<vmem_shared>>
      tpu.enqueue_indirect_dma source(%arg15 : memref<128x128xf32, #tpu.memory_space<vmem>>) target(%dma_start3A_475 : memref<10240x128xf32, #tpu.memory_space<vmem_shared>>) offsets(%dma_start3A_472 : memref<128xi32, #tpu.memory_space<vmem>>) semaphore(%arg28 : memref<!tpu.dma_semaphore, #tpu.memory_space<semaphore_mem>>) {add = true}
      %add3A_476 = arith.constant 7 : i32
      %add3A_477 = arith.addi %add3A_438, %add3A_476 : i32
      %mul3A_478 = arith.constant 128 : i32
      %mul3A_479 = arith.muli %add3A_477, %mul3A_478 : i32
      %add3A_480 = arith.addi %mul3A_2, %mul3A_479 : i32
      %dma_start3A_481 = arith.constant 0 : i32
      %dma_start3A_482 = tpu.memref_slice %arg3[%dma_start3A_481, %add3A_480] : memref<2x327680xi32, #tpu.memory_space<hbm>> -> memref<2x128xi32, #tpu.memory_space<hbm>>
      %dma_start3A_483 = arith.constant 0 : i32
      %dma_start3A_484 = tpu.memref_slice %arg3[%dma_start3A_483, %add3A_480] : memref<2x327680xi32, #tpu.memory_space<hbm>> -> memref<2x128xi32, #tpu.memory_space<hbm>>
      tpu.enqueue_dma source(%dma_start3A_484 : memref<2x128xi32, #tpu.memory_space<hbm>>) target(%arg8 : memref<2x128xi32, #tpu.memory_space<vmem>>) target_semaphore(%arg19 : memref<!tpu.dma_semaphore, #tpu.memory_space<semaphore_mem>>)
      %add3A_485 = arith.constant 3 : i32
      %add3A_486 = arith.addi %add3A_340, %add3A_485 : i32
      %add3A_487 = arith.constant 1 : i32
      %add3A_488 = arith.addi %add3A_486, %add3A_487 : i32
      %mul3A_489 = arith.constant 128 : i32
      %mul3A_490 = arith.muli %add3A_488, %mul3A_489 : i32
      %add3A_491 = arith.addi %mul3A_2, %mul3A_490 : i32
      %dma_wait3A_492 = arith.constant 0 : i32
      %dma_wait3A_493 = tpu.memref_slice %arg3[%dma_wait3A_492, %add3A_491] : memref<2x327680xi32, #tpu.memory_space<hbm>> -> memref<2x128xi32, #tpu.memory_space<hbm>>
      %dma_wait3A_494 = arith.constant 0 : i32
      %dma_wait3A_495 = tpu.memref_slice %arg3[%dma_wait3A_494, %add3A_491] : memref<2x327680xi32, #tpu.memory_space<hbm>> -> memref<2x128xi32, #tpu.memory_space<hbm>>
      tpu.wait_dma2 semaphore(%arg22 : memref<!tpu.dma_semaphore, #tpu.memory_space<semaphore_mem>>) src(%dma_wait3A_495 : memref<2x128xi32, #tpu.memory_space<hbm>>) dst(%arg11 : memref<2x128xi32, #tpu.memory_space<vmem>>)
      %dma_wait3A_496 = arith.constant 1 : i32
      %dma_wait3A_497 = arith.constant 0 : i32
      %dma_wait3A_498 = tpu.memref_slice %arg9[%dma_wait3A_496, %dma_wait3A_497] : memref<2x128xi32, #tpu.memory_space<vmem>> -> memref<1x128xi32, #tpu.memory_space<vmem>>
      %dma_wait3A_499 = tpu.memref_squeeze %dma_wait3A_498 : memref<1x128xi32, #tpu.memory_space<vmem>> -> memref<128xi32, #tpu.memory_space<vmem>>
      %dma_wait3A_500 = arith.constant 0 : i32
      %dma_wait3A_501 = arith.constant 0 : i32
      %dma_wait3A_502 = tpu.memref_slice %arg16[%dma_wait3A_500, %dma_wait3A_501] : memref<10240x128xf32, #tpu.memory_space<vmem_shared>> -> memref<10240x128xf32, #tpu.memory_space<vmem_shared>>
      tpu.wait_indirect_dma semaphore(%arg28 : memref<!tpu.dma_semaphore, #tpu.memory_space<semaphore_mem>>) src(%arg15 : memref<128x128xf32, #tpu.memory_space<vmem>>) dst(%dma_wait3A_502 : memref<10240x128xf32, #tpu.memory_space<vmem_shared>>)
      %dma_start3A_503 = arith.constant 0 : i32
      %dma_start3A_504 = arith.constant 0 : i32
      %dma_start3A_505 = tpu.memref_slice %arg11[%dma_start3A_503, %dma_start3A_504] : memref<2x128xi32, #tpu.memory_space<vmem>> -> memref<1x128xi32, #tpu.memory_space<vmem>>
      %dma_start3A_506 = tpu.memref_squeeze %dma_start3A_505 : memref<1x128xi32, #tpu.memory_space<vmem>> -> memref<128xi32, #tpu.memory_space<vmem>>
      %dma_start3A_507 = arith.constant 0 : i32
      %dma_start3A_508 = arith.constant 0 : i32
      %dma_start3A_509 = tpu.memref_slice %arg2[%dma_start3A_507, %dma_start3A_508] : memref<10000x128xf32, #tpu.memory_space<hbm>> -> memref<10000x128xf32, #tpu.memory_space<hbm>>
      tpu.enqueue_indirect_dma source(%dma_start3A_509 : memref<10000x128xf32, #tpu.memory_space<hbm>>) target(%arg15 : memref<128x128xf32, #tpu.memory_space<vmem>>) offsets(%dma_start3A_506 : memref<128xi32, #tpu.memory_space<vmem>>) semaphore(%arg26 : memref<!tpu.dma_semaphore, #tpu.memory_space<semaphore_mem>>)
      %dma_wait3A_510 = arith.constant 0 : i32
      %dma_wait3A_511 = arith.constant 0 : i32
      %dma_wait3A_512 = tpu.memref_slice %arg10[%dma_wait3A_510, %dma_wait3A_511] : memref<2x128xi32, #tpu.memory_space<vmem>> -> memref<1x128xi32, #tpu.memory_space<vmem>>
      %dma_wait3A_513 = tpu.memref_squeeze %dma_wait3A_512 : memref<1x128xi32, #tpu.memory_space<vmem>> -> memref<128xi32, #tpu.memory_space<vmem>>
      %dma_wait3A_514 = arith.constant 0 : i32
      %dma_wait3A_515 = arith.constant 0 : i32
      %dma_wait3A_516 = tpu.memref_slice %arg2[%dma_wait3A_514, %dma_wait3A_515] : memref<10000x128xf32, #tpu.memory_space<hbm>> -> memref<10000x128xf32, #tpu.memory_space<hbm>>
      tpu.wait_indirect_dma semaphore(%arg25 : memref<!tpu.dma_semaphore, #tpu.memory_space<semaphore_mem>>) src(%dma_wait3A_516 : memref<10000x128xf32, #tpu.memory_space<hbm>>) dst(%arg14 : memref<128x128xf32, #tpu.memory_space<vmem>>)
      %dma_start3A_517 = arith.constant 1 : i32
      %dma_start3A_518 = arith.constant 0 : i32
      %dma_start3A_519 = tpu.memref_slice %arg10[%dma_start3A_517, %dma_start3A_518] : memref<2x128xi32, #tpu.memory_space<vmem>> -> memref<1x128xi32, #tpu.memory_space<vmem>>
      %dma_start3A_520 = tpu.memref_squeeze %dma_start3A_519 : memref<1x128xi32, #tpu.memory_space<vmem>> -> memref<128xi32, #tpu.memory_space<vmem>>
      %dma_start3A_521 = arith.constant 0 : i32
      %dma_start3A_522 = arith.constant 0 : i32
      %dma_start3A_523 = tpu.memref_slice %arg16[%dma_start3A_521, %dma_start3A_522] : memref<10240x128xf32, #tpu.memory_space<vmem_shared>> -> memref<10240x128xf32, #tpu.memory_space<vmem_shared>>
      tpu.enqueue_indirect_dma source(%arg14 : memref<128x128xf32, #tpu.memory_space<vmem>>) target(%dma_start3A_523 : memref<10240x128xf32, #tpu.memory_space<vmem_shared>>) offsets(%dma_start3A_520 : memref<128xi32, #tpu.memory_space<vmem>>) semaphore(%arg27 : memref<!tpu.dma_semaphore, #tpu.memory_space<semaphore_mem>>) {add = true}
      %add3A_524 = arith.constant 7 : i32
      %add3A_525 = arith.addi %add3A_486, %add3A_524 : i32
      %mul3A_526 = arith.constant 128 : i32
      %mul3A_527 = arith.muli %add3A_525, %mul3A_526 : i32
      %add3A_528 = arith.addi %mul3A_2, %mul3A_527 : i32
      %dma_start3A_529 = arith.constant 0 : i32
      %dma_start3A_530 = tpu.memref_slice %arg3[%dma_start3A_529, %add3A_528] : memref<2x327680xi32, #tpu.memory_space<hbm>> -> memref<2x128xi32, #tpu.memory_space<hbm>>
      %dma_start3A_531 = arith.constant 0 : i32
      %dma_start3A_532 = tpu.memref_slice %arg3[%dma_start3A_531, %add3A_528] : memref<2x327680xi32, #tpu.memory_space<hbm>> -> memref<2x128xi32, #tpu.memory_space<hbm>>
      tpu.enqueue_dma source(%dma_start3A_532 : memref<2x128xi32, #tpu.memory_space<hbm>>) target(%arg9 : memref<2x128xi32, #tpu.memory_space<vmem>>) target_semaphore(%arg20 : memref<!tpu.dma_semaphore, #tpu.memory_space<semaphore_mem>>)
      %add3A_533 = arith.constant 4 : i32
      %add3A_534 = arith.addi %add3A_340, %add3A_533 : i32
      %add3A_535 = arith.constant 1 : i32
      %add3A_536 = arith.addi %add3A_534, %add3A_535 : i32
      %mul3A_537 = arith.constant 128 : i32
      %mul3A_538 = arith.muli %add3A_536, %mul3A_537 : i32
      %add3A_539 = arith.addi %mul3A_2, %mul3A_538 : i32
      %dma_wait3A_540 = arith.constant 0 : i32
      %dma_wait3A_541 = tpu.memref_slice %arg3[%dma_wait3A_540, %add3A_539] : memref<2x327680xi32, #tpu.memory_space<hbm>> -> memref<2x128xi32, #tpu.memory_space<hbm>>
      %dma_wait3A_542 = arith.constant 0 : i32
      %dma_wait3A_543 = tpu.memref_slice %arg3[%dma_wait3A_542, %add3A_539] : memref<2x327680xi32, #tpu.memory_space<hbm>> -> memref<2x128xi32, #tpu.memory_space<hbm>>
      tpu.wait_dma2 semaphore(%arg23 : memref<!tpu.dma_semaphore, #tpu.memory_space<semaphore_mem>>) src(%dma_wait3A_543 : memref<2x128xi32, #tpu.memory_space<hbm>>) dst(%arg12 : memref<2x128xi32, #tpu.memory_space<vmem>>)
      %dma_wait3A_544 = arith.constant 1 : i32
      %dma_wait3A_545 = arith.constant 0 : i32
      %dma_wait3A_546 = tpu.memref_slice %arg10[%dma_wait3A_544, %dma_wait3A_545] : memref<2x128xi32, #tpu.memory_space<vmem>> -> memref<1x128xi32, #tpu.memory_space<vmem>>
      %dma_wait3A_547 = tpu.memref_squeeze %dma_wait3A_546 : memref<1x128xi32, #tpu.memory_space<vmem>> -> memref<128xi32, #tpu.memory_space<vmem>>
      %dma_wait3A_548 = arith.constant 0 : i32
      %dma_wait3A_549 = arith.constant 0 : i32
      %dma_wait3A_550 = tpu.memref_slice %arg16[%dma_wait3A_548, %dma_wait3A_549] : memref<10240x128xf32, #tpu.memory_space<vmem_shared>> -> memref<10240x128xf32, #tpu.memory_space<vmem_shared>>
      tpu.wait_indirect_dma semaphore(%arg27 : memref<!tpu.dma_semaphore, #tpu.memory_space<semaphore_mem>>) src(%arg14 : memref<128x128xf32, #tpu.memory_space<vmem>>) dst(%dma_wait3A_550 : memref<10240x128xf32, #tpu.memory_space<vmem_shared>>)
      %dma_start3A_551 = arith.constant 0 : i32
      %dma_start3A_552 = arith.constant 0 : i32
      %dma_start3A_553 = tpu.memref_slice %arg12[%dma_start3A_551, %dma_start3A_552] : memref<2x128xi32, #tpu.memory_space<vmem>> -> memref<1x128xi32, #tpu.memory_space<vmem>>
      %dma_start3A_554 = tpu.memref_squeeze %dma_start3A_553 : memref<1x128xi32, #tpu.memory_space<vmem>> -> memref<128xi32, #tpu.memory_space<vmem>>
      %dma_start3A_555 = arith.constant 0 : i32
      %dma_start3A_556 = arith.constant 0 : i32
      %dma_start3A_557 = tpu.memref_slice %arg2[%dma_start3A_555, %dma_start3A_556] : memref<10000x128xf32, #tpu.memory_space<hbm>> -> memref<10000x128xf32, #tpu.memory_space<hbm>>
      tpu.enqueue_indirect_dma source(%dma_start3A_557 : memref<10000x128xf32, #tpu.memory_space<hbm>>) target(%arg14 : memref<128x128xf32, #tpu.memory_space<vmem>>) offsets(%dma_start3A_554 : memref<128xi32, #tpu.memory_space<vmem>>) semaphore(%arg25 : memref<!tpu.dma_semaphore, #tpu.memory_space<semaphore_mem>>)
      %dma_wait3A_558 = arith.constant 0 : i32
      %dma_wait3A_559 = arith.constant 0 : i32
      %dma_wait3A_560 = tpu.memref_slice %arg11[%dma_wait3A_558, %dma_wait3A_559] : memref<2x128xi32, #tpu.memory_space<vmem>> -> memref<1x128xi32, #tpu.memory_space<vmem>>
      %dma_wait3A_561 = tpu.memref_squeeze %dma_wait3A_560 : memref<1x128xi32, #tpu.memory_space<vmem>> -> memref<128xi32, #tpu.memory_space<vmem>>
      %dma_wait3A_562 = arith.constant 0 : i32
      %dma_wait3A_563 = arith.constant 0 : i32
      %dma_wait3A_564 = tpu.memref_slice %arg2[%dma_wait3A_562, %dma_wait3A_563] : memref<10000x128xf32, #tpu.memory_space<hbm>> -> memref<10000x128xf32, #tpu.memory_space<hbm>>
      tpu.wait_indirect_dma semaphore(%arg26 : memref<!tpu.dma_semaphore, #tpu.memory_space<semaphore_mem>>) src(%dma_wait3A_564 : memref<10000x128xf32, #tpu.memory_space<hbm>>) dst(%arg15 : memref<128x128xf32, #tpu.memory_space<vmem>>)
      %dma_start3A_565 = arith.constant 1 : i32
      %dma_start3A_566 = arith.constant 0 : i32
      %dma_start3A_567 = tpu.memref_slice %arg11[%dma_start3A_565, %dma_start3A_566] : memref<2x128xi32, #tpu.memory_space<vmem>> -> memref<1x128xi32, #tpu.memory_space<vmem>>
      %dma_start3A_568 = tpu.memref_squeeze %dma_start3A_567 : memref<1x128xi32, #tpu.memory_space<vmem>> -> memref<128xi32, #tpu.memory_space<vmem>>
      %dma_start3A_569 = arith.constant 0 : i32
      %dma_start3A_570 = arith.constant 0 : i32
      %dma_start3A_571 = tpu.memref_slice %arg16[%dma_start3A_569, %dma_start3A_570] : memref<10240x128xf32, #tpu.memory_space<vmem_shared>> -> memref<10240x128xf32, #tpu.memory_space<vmem_shared>>
      tpu.enqueue_indirect_dma source(%arg15 : memref<128x128xf32, #tpu.memory_space<vmem>>) target(%dma_start3A_571 : memref<10240x128xf32, #tpu.memory_space<vmem_shared>>) offsets(%dma_start3A_568 : memref<128xi32, #tpu.memory_space<vmem>>) semaphore(%arg28 : memref<!tpu.dma_semaphore, #tpu.memory_space<semaphore_mem>>) {add = true}
      %add3A_572 = arith.constant 7 : i32
      %add3A_573 = arith.addi %add3A_534, %add3A_572 : i32
      %mul3A_574 = arith.constant 128 : i32
      %mul3A_575 = arith.muli %add3A_573, %mul3A_574 : i32
      %add3A_576 = arith.addi %mul3A_2, %mul3A_575 : i32
      %dma_start3A_577 = arith.constant 0 : i32
      %dma_start3A_578 = tpu.memref_slice %arg3[%dma_start3A_577, %add3A_576] : memref<2x327680xi32, #tpu.memory_space<hbm>> -> memref<2x128xi32, #tpu.memory_space<hbm>>
      %dma_start3A_579 = arith.constant 0 : i32
      %dma_start3A_580 = tpu.memref_slice %arg3[%dma_start3A_579, %add3A_576] : memref<2x327680xi32, #tpu.memory_space<hbm>> -> memref<2x128xi32, #tpu.memory_space<hbm>>
      tpu.enqueue_dma source(%dma_start3A_580 : memref<2x128xi32, #tpu.memory_space<hbm>>) target(%arg10 : memref<2x128xi32, #tpu.memory_space<vmem>>) target_semaphore(%arg21 : memref<!tpu.dma_semaphore, #tpu.memory_space<semaphore_mem>>)
      %add3A_581 = arith.constant 5 : i32
      %add3A_582 = arith.addi %add3A_340, %add3A_581 : i32
      %add3A_583 = arith.constant 1 : i32
      %add3A_584 = arith.addi %add3A_582, %add3A_583 : i32
      %mul3A_585 = arith.constant 128 : i32
      %mul3A_586 = arith.muli %add3A_584, %mul3A_585 : i32
      %add3A_587 = arith.addi %mul3A_2, %mul3A_586 : i32
      %dma_wait3A_588 = arith.constant 0 : i32
      %dma_wait3A_589 = tpu.memref_slice %arg3[%dma_wait3A_588, %add3A_587] : memref<2x327680xi32, #tpu.memory_space<hbm>> -> memref<2x128xi32, #tpu.memory_space<hbm>>
      %dma_wait3A_590 = arith.constant 0 : i32
      %dma_wait3A_591 = tpu.memref_slice %arg3[%dma_wait3A_590, %add3A_587] : memref<2x327680xi32, #tpu.memory_space<hbm>> -> memref<2x128xi32, #tpu.memory_space<hbm>>
      tpu.wait_dma2 semaphore(%arg24 : memref<!tpu.dma_semaphore, #tpu.memory_space<semaphore_mem>>) src(%dma_wait3A_591 : memref<2x128xi32, #tpu.memory_space<hbm>>) dst(%arg13 : memref<2x128xi32, #tpu.memory_space<vmem>>)
      %dma_wait3A_592 = arith.constant 1 : i32
      %dma_wait3A_593 = arith.constant 0 : i32
      %dma_wait3A_594 = tpu.memref_slice %arg11[%dma_wait3A_592, %dma_wait3A_593] : memref<2x128xi32, #tpu.memory_space<vmem>> -> memref<1x128xi32, #tpu.memory_space<vmem>>
      %dma_wait3A_595 = tpu.memref_squeeze %dma_wait3A_594 : memref<1x128xi32, #tpu.memory_space<vmem>> -> memref<128xi32, #tpu.memory_space<vmem>>
      %dma_wait3A_596 = arith.constant 0 : i32
      %dma_wait3A_597 = arith.constant 0 : i32
      %dma_wait3A_598 = tpu.memref_slice %arg16[%dma_wait3A_596, %dma_wait3A_597] : memref<10240x128xf32, #tpu.memory_space<vmem_shared>> -> memref<10240x128xf32, #tpu.memory_space<vmem_shared>>
      tpu.wait_indirect_dma semaphore(%arg28 : memref<!tpu.dma_semaphore, #tpu.memory_space<semaphore_mem>>) src(%arg15 : memref<128x128xf32, #tpu.memory_space<vmem>>) dst(%dma_wait3A_598 : memref<10240x128xf32, #tpu.memory_space<vmem_shared>>)
      %dma_start3A_599 = arith.constant 0 : i32
      %dma_start3A_600 = arith.constant 0 : i32
      %dma_start3A_601 = tpu.memref_slice %arg13[%dma_start3A_599, %dma_start3A_600] : memref<2x128xi32, #tpu.memory_space<vmem>> -> memref<1x128xi32, #tpu.memory_space<vmem>>
      %dma_start3A_602 = tpu.memref_squeeze %dma_start3A_601 : memref<1x128xi32, #tpu.memory_space<vmem>> -> memref<128xi32, #tpu.memory_space<vmem>>
      %dma_start3A_603 = arith.constant 0 : i32
      %dma_start3A_604 = arith.constant 0 : i32
      %dma_start3A_605 = tpu.memref_slice %arg2[%dma_start3A_603, %dma_start3A_604] : memref<10000x128xf32, #tpu.memory_space<hbm>> -> memref<10000x128xf32, #tpu.memory_space<hbm>>
      tpu.enqueue_indirect_dma source(%dma_start3A_605 : memref<10000x128xf32, #tpu.memory_space<hbm>>) target(%arg15 : memref<128x128xf32, #tpu.memory_space<vmem>>) offsets(%dma_start3A_602 : memref<128xi32, #tpu.memory_space<vmem>>) semaphore(%arg26 : memref<!tpu.dma_semaphore, #tpu.memory_space<semaphore_mem>>)
      %dma_wait3A_606 = arith.constant 0 : i32
      %dma_wait3A_607 = arith.constant 0 : i32
      %dma_wait3A_608 = tpu.memref_slice %arg12[%dma_wait3A_606, %dma_wait3A_607] : memref<2x128xi32, #tpu.memory_space<vmem>> -> memref<1x128xi32, #tpu.memory_space<vmem>>
      %dma_wait3A_609 = tpu.memref_squeeze %dma_wait3A_608 : memref<1x128xi32, #tpu.memory_space<vmem>> -> memref<128xi32, #tpu.memory_space<vmem>>
      %dma_wait3A_610 = arith.constant 0 : i32
      %dma_wait3A_611 = arith.constant 0 : i32
      %dma_wait3A_612 = tpu.memref_slice %arg2[%dma_wait3A_610, %dma_wait3A_611] : memref<10000x128xf32, #tpu.memory_space<hbm>> -> memref<10000x128xf32, #tpu.memory_space<hbm>>
      tpu.wait_indirect_dma semaphore(%arg25 : memref<!tpu.dma_semaphore, #tpu.memory_space<semaphore_mem>>) src(%dma_wait3A_612 : memref<10000x128xf32, #tpu.memory_space<hbm>>) dst(%arg14 : memref<128x128xf32, #tpu.memory_space<vmem>>)
      %dma_start3A_613 = arith.constant 1 : i32
      %dma_start3A_614 = arith.constant 0 : i32
      %dma_start3A_615 = tpu.memref_slice %arg12[%dma_start3A_613, %dma_start3A_614] : memref<2x128xi32, #tpu.memory_space<vmem>> -> memref<1x128xi32, #tpu.memory_space<vmem>>
      %dma_start3A_616 = tpu.memref_squeeze %dma_start3A_615 : memref<1x128xi32, #tpu.memory_space<vmem>> -> memref<128xi32, #tpu.memory_space<vmem>>
      %dma_start3A_617 = arith.constant 0 : i32
      %dma_start3A_618 = arith.constant 0 : i32
      %dma_start3A_619 = tpu.memref_slice %arg16[%dma_start3A_617, %dma_start3A_618] : memref<10240x128xf32, #tpu.memory_space<vmem_shared>> -> memref<10240x128xf32, #tpu.memory_space<vmem_shared>>
      tpu.enqueue_indirect_dma source(%arg14 : memref<128x128xf32, #tpu.memory_space<vmem>>) target(%dma_start3A_619 : memref<10240x128xf32, #tpu.memory_space<vmem_shared>>) offsets(%dma_start3A_616 : memref<128xi32, #tpu.memory_space<vmem>>) semaphore(%arg27 : memref<!tpu.dma_semaphore, #tpu.memory_space<semaphore_mem>>) {add = true}
      %add3A_620 = arith.constant 7 : i32
      %add3A_621 = arith.addi %add3A_582, %add3A_620 : i32
      %mul3A_622 = arith.constant 128 : i32
      %mul3A_623 = arith.muli %add3A_621, %mul3A_622 : i32
      %add3A_624 = arith.addi %mul3A_2, %mul3A_623 : i32
      %dma_start3A_625 = arith.constant 0 : i32
      %dma_start3A_626 = tpu.memref_slice %arg3[%dma_start3A_625, %add3A_624] : memref<2x327680xi32, #tpu.memory_space<hbm>> -> memref<2x128xi32, #tpu.memory_space<hbm>>
      %dma_start3A_627 = arith.constant 0 : i32
      %dma_start3A_628 = tpu.memref_slice %arg3[%dma_start3A_627, %add3A_624] : memref<2x327680xi32, #tpu.memory_space<hbm>> -> memref<2x128xi32, #tpu.memory_space<hbm>>
      tpu.enqueue_dma source(%dma_start3A_628 : memref<2x128xi32, #tpu.memory_space<hbm>>) target(%arg11 : memref<2x128xi32, #tpu.memory_space<vmem>>) target_semaphore(%arg22 : memref<!tpu.dma_semaphore, #tpu.memory_space<semaphore_mem>>)
      %add3A_629 = arith.constant 6 : i32
      %add3A_630 = arith.addi %add3A_340, %add3A_629 : i32
      %add3A_631 = arith.constant 1 : i32
      %add3A_632 = arith.addi %add3A_630, %add3A_631 : i32
      %mul3A_633 = arith.constant 128 : i32
      %mul3A_634 = arith.muli %add3A_632, %mul3A_633 : i32
      %add3A_635 = arith.addi %mul3A_2, %mul3A_634 : i32
      %dma_wait3A_636 = arith.constant 0 : i32
      %dma_wait3A_637 = tpu.memref_slice %arg3[%dma_wait3A_636, %add3A_635] : memref<2x327680xi32, #tpu.memory_space<hbm>> -> memref<2x128xi32, #tpu.memory_space<hbm>>
      %dma_wait3A_638 = arith.constant 0 : i32
      %dma_wait3A_639 = tpu.memref_slice %arg3[%dma_wait3A_638, %add3A_635] : memref<2x327680xi32, #tpu.memory_space<hbm>> -> memref<2x128xi32, #tpu.memory_space<hbm>>
      tpu.wait_dma2 semaphore(%arg17 : memref<!tpu.dma_semaphore, #tpu.memory_space<semaphore_mem>>) src(%dma_wait3A_639 : memref<2x128xi32, #tpu.memory_space<hbm>>) dst(%arg6 : memref<2x128xi32, #tpu.memory_space<vmem>>)
      %dma_wait3A_640 = arith.constant 1 : i32
      %dma_wait3A_641 = arith.constant 0 : i32
      %dma_wait3A_642 = tpu.memref_slice %arg12[%dma_wait3A_640, %dma_wait3A_641] : memref<2x128xi32, #tpu.memory_space<vmem>> -> memref<1x128xi32, #tpu.memory_space<vmem>>
      %dma_wait3A_643 = tpu.memref_squeeze %dma_wait3A_642 : memref<1x128xi32, #tpu.memory_space<vmem>> -> memref<128xi32, #tpu.memory_space<vmem>>
      %dma_wait3A_644 = arith.constant 0 : i32
      %dma_wait3A_645 = arith.constant 0 : i32
      %dma_wait3A_646 = tpu.memref_slice %arg16[%dma_wait3A_644, %dma_wait3A_645] : memref<10240x128xf32, #tpu.memory_space<vmem_shared>> -> memref<10240x128xf32, #tpu.memory_space<vmem_shared>>
      tpu.wait_indirect_dma semaphore(%arg27 : memref<!tpu.dma_semaphore, #tpu.memory_space<semaphore_mem>>) src(%arg14 : memref<128x128xf32, #tpu.memory_space<vmem>>) dst(%dma_wait3A_646 : memref<10240x128xf32, #tpu.memory_space<vmem_shared>>)
      %dma_start3A_647 = arith.constant 0 : i32
      %dma_start3A_648 = arith.constant 0 : i32
      %dma_start3A_649 = tpu.memref_slice %arg6[%dma_start3A_647, %dma_start3A_648] : memref<2x128xi32, #tpu.memory_space<vmem>> -> memref<1x128xi32, #tpu.memory_space<vmem>>
      %dma_start3A_650 = tpu.memref_squeeze %dma_start3A_649 : memref<1x128xi32, #tpu.memory_space<vmem>> -> memref<128xi32, #tpu.memory_space<vmem>>
      %dma_start3A_651 = arith.constant 0 : i32
      %dma_start3A_652 = arith.constant 0 : i32
      %dma_start3A_653 = tpu.memref_slice %arg2[%dma_start3A_651, %dma_start3A_652] : memref<10000x128xf32, #tpu.memory_space<hbm>> -> memref<10000x128xf32, #tpu.memory_space<hbm>>
      tpu.enqueue_indirect_dma source(%dma_start3A_653 : memref<10000x128xf32, #tpu.memory_space<hbm>>) target(%arg14 : memref<128x128xf32, #tpu.memory_space<vmem>>) offsets(%dma_start3A_650 : memref<128xi32, #tpu.memory_space<vmem>>) semaphore(%arg25 : memref<!tpu.dma_semaphore, #tpu.memory_space<semaphore_mem>>)
      %dma_wait3A_654 = arith.constant 0 : i32
      %dma_wait3A_655 = arith.constant 0 : i32
      %dma_wait3A_656 = tpu.memref_slice %arg13[%dma_wait3A_654, %dma_wait3A_655] : memref<2x128xi32, #tpu.memory_space<vmem>> -> memref<1x128xi32, #tpu.memory_space<vmem>>
      %dma_wait3A_657 = tpu.memref_squeeze %dma_wait3A_656 : memref<1x128xi32, #tpu.memory_space<vmem>> -> memref<128xi32, #tpu.memory_space<vmem>>
      %dma_wait3A_658 = arith.constant 0 : i32
      %dma_wait3A_659 = arith.constant 0 : i32
      %dma_wait3A_660 = tpu.memref_slice %arg2[%dma_wait3A_658, %dma_wait3A_659] : memref<10000x128xf32, #tpu.memory_space<hbm>> -> memref<10000x128xf32, #tpu.memory_space<hbm>>
      tpu.wait_indirect_dma semaphore(%arg26 : memref<!tpu.dma_semaphore, #tpu.memory_space<semaphore_mem>>) src(%dma_wait3A_660 : memref<10000x128xf32, #tpu.memory_space<hbm>>) dst(%arg15 : memref<128x128xf32, #tpu.memory_space<vmem>>)
      %dma_start3A_661 = arith.constant 1 : i32
      %dma_start3A_662 = arith.constant 0 : i32
      %dma_start3A_663 = tpu.memref_slice %arg13[%dma_start3A_661, %dma_start3A_662] : memref<2x128xi32, #tpu.memory_space<vmem>> -> memref<1x128xi32, #tpu.memory_space<vmem>>
      %dma_start3A_664 = tpu.memref_squeeze %dma_start3A_663 : memref<1x128xi32, #tpu.memory_space<vmem>> -> memref<128xi32, #tpu.memory_space<vmem>>
      %dma_start3A_665 = arith.constant 0 : i32
      %dma_start3A_666 = arith.constant 0 : i32
      %dma_start3A_667 = tpu.memref_slice %arg16[%dma_start3A_665, %dma_start3A_666] : memref<10240x128xf32, #tpu.memory_space<vmem_shared>> -> memref<10240x128xf32, #tpu.memory_space<vmem_shared>>
      tpu.enqueue_indirect_dma source(%arg15 : memref<128x128xf32, #tpu.memory_space<vmem>>) target(%dma_start3A_667 : memref<10240x128xf32, #tpu.memory_space<vmem_shared>>) offsets(%dma_start3A_664 : memref<128xi32, #tpu.memory_space<vmem>>) semaphore(%arg28 : memref<!tpu.dma_semaphore, #tpu.memory_space<semaphore_mem>>) {add = true}
      %add3A_668 = arith.constant 7 : i32
      %add3A_669 = arith.addi %add3A_630, %add3A_668 : i32
      %mul3A_670 = arith.constant 128 : i32
      %mul3A_671 = arith.muli %add3A_669, %mul3A_670 : i32
      %add3A_672 = arith.addi %mul3A_2, %mul3A_671 : i32
      %dma_start3A_673 = arith.constant 0 : i32
      %dma_start3A_674 = tpu.memref_slice %arg3[%dma_start3A_673, %add3A_672] : memref<2x327680xi32, #tpu.memory_space<hbm>> -> memref<2x128xi32, #tpu.memory_space<hbm>>
      %dma_start3A_675 = arith.constant 0 : i32
      %dma_start3A_676 = tpu.memref_slice %arg3[%dma_start3A_675, %add3A_672] : memref<2x327680xi32, #tpu.memory_space<hbm>> -> memref<2x128xi32, #tpu.memory_space<hbm>>
      tpu.enqueue_dma source(%dma_start3A_676 : memref<2x128xi32, #tpu.memory_space<hbm>>) target(%arg12 : memref<2x128xi32, #tpu.memory_space<vmem>>) target_semaphore(%arg23 : memref<!tpu.dma_semaphore, #tpu.memory_space<semaphore_mem>>)
      %add3A_677 = arith.constant 7 : i32
      %add3A_678 = arith.addi %add3A_340, %add3A_677 : i32
      %add3A_679 = arith.constant 1 : i32
      %add3A_680 = arith.addi %add3A_678, %add3A_679 : i32
      %mul3A_681 = arith.constant 128 : i32
      %mul3A_682 = arith.muli %add3A_680, %mul3A_681 : i32
      %add3A_683 = arith.addi %mul3A_2, %mul3A_682 : i32
      %dma_wait3A_684 = arith.constant 0 : i32
      %dma_wait3A_685 = tpu.memref_slice %arg3[%dma_wait3A_684, %add3A_683] : memref<2x327680xi32, #tpu.memory_space<hbm>> -> memref<2x128xi32, #tpu.memory_space<hbm>>
      %dma_wait3A_686 = arith.constant 0 : i32
      %dma_wait3A_687 = tpu.memref_slice %arg3[%dma_wait3A_686, %add3A_683] : memref<2x327680xi32, #tpu.memory_space<hbm>> -> memref<2x128xi32, #tpu.memory_space<hbm>>
      tpu.wait_dma2 semaphore(%arg18 : memref<!tpu.dma_semaphore, #tpu.memory_space<semaphore_mem>>) src(%dma_wait3A_687 : memref<2x128xi32, #tpu.memory_space<hbm>>) dst(%arg7 : memref<2x128xi32, #tpu.memory_space<vmem>>)
      %dma_wait3A_688 = arith.constant 1 : i32
      %dma_wait3A_689 = arith.constant 0 : i32
      %dma_wait3A_690 = tpu.memref_slice %arg13[%dma_wait3A_688, %dma_wait3A_689] : memref<2x128xi32, #tpu.memory_space<vmem>> -> memref<1x128xi32, #tpu.memory_space<vmem>>
      %dma_wait3A_691 = tpu.memref_squeeze %dma_wait3A_690 : memref<1x128xi32, #tpu.memory_space<vmem>> -> memref<128xi32, #tpu.memory_space<vmem>>
      %dma_wait3A_692 = arith.constant 0 : i32
      %dma_wait3A_693 = arith.constant 0 : i32
      %dma_wait3A_694 = tpu.memref_slice %arg16[%dma_wait3A_692, %dma_wait3A_693] : memref<10240x128xf32, #tpu.memory_space<vmem_shared>> -> memref<10240x128xf32, #tpu.memory_space<vmem_shared>>
      tpu.wait_indirect_dma semaphore(%arg28 : memref<!tpu.dma_semaphore, #tpu.memory_space<semaphore_mem>>) src(%arg15 : memref<128x128xf32, #tpu.memory_space<vmem>>) dst(%dma_wait3A_694 : memref<10240x128xf32, #tpu.memory_space<vmem_shared>>)
      %dma_start3A_695 = arith.constant 0 : i32
      %dma_start3A_696 = arith.constant 0 : i32
      %dma_start3A_697 = tpu.memref_slice %arg7[%dma_start3A_695, %dma_start3A_696] : memref<2x128xi32, #tpu.memory_space<vmem>> -> memref<1x128xi32, #tpu.memory_space<vmem>>
      %dma_start3A_698 = tpu.memref_squeeze %dma_start3A_697 : memref<1x128xi32, #tpu.memory_space<vmem>> -> memref<128xi32, #tpu.memory_space<vmem>>
      %dma_start3A_699 = arith.constant 0 : i32
      %dma_start3A_700 = arith.constant 0 : i32
      %dma_start3A_701 = tpu.memref_slice %arg2[%dma_start3A_699, %dma_start3A_700] : memref<10000x128xf32, #tpu.memory_space<hbm>> -> memref<10000x128xf32, #tpu.memory_space<hbm>>
      tpu.enqueue_indirect_dma source(%dma_start3A_701 : memref<10000x128xf32, #tpu.memory_space<hbm>>) target(%arg15 : memref<128x128xf32, #tpu.memory_space<vmem>>) offsets(%dma_start3A_698 : memref<128xi32, #tpu.memory_space<vmem>>) semaphore(%arg26 : memref<!tpu.dma_semaphore, #tpu.memory_space<semaphore_mem>>)
      %dma_wait3A_702 = arith.constant 0 : i32
      %dma_wait3A_703 = arith.constant 0 : i32
      %dma_wait3A_704 = tpu.memref_slice %arg6[%dma_wait3A_702, %dma_wait3A_703] : memref<2x128xi32, #tpu.memory_space<vmem>> -> memref<1x128xi32, #tpu.memory_space<vmem>>
      %dma_wait3A_705 = tpu.memref_squeeze %dma_wait3A_704 : memref<1x128xi32, #tpu.memory_space<vmem>> -> memref<128xi32, #tpu.memory_space<vmem>>
      %dma_wait3A_706 = arith.constant 0 : i32
      %dma_wait3A_707 = arith.constant 0 : i32
      %dma_wait3A_708 = tpu.memref_slice %arg2[%dma_wait3A_706, %dma_wait3A_707] : memref<10000x128xf32, #tpu.memory_space<hbm>> -> memref<10000x128xf32, #tpu.memory_space<hbm>>
      tpu.wait_indirect_dma semaphore(%arg25 : memref<!tpu.dma_semaphore, #tpu.memory_space<semaphore_mem>>) src(%dma_wait3A_708 : memref<10000x128xf32, #tpu.memory_space<hbm>>) dst(%arg14 : memref<128x128xf32, #tpu.memory_space<vmem>>)
      %dma_start3A_709 = arith.constant 1 : i32
      %dma_start3A_710 = arith.constant 0 : i32
      %dma_start3A_711 = tpu.memref_slice %arg6[%dma_start3A_709, %dma_start3A_710] : memref<2x128xi32, #tpu.memory_space<vmem>> -> memref<1x128xi32, #tpu.memory_space<vmem>>
      %dma_start3A_712 = tpu.memref_squeeze %dma_start3A_711 : memref<1x128xi32, #tpu.memory_space<vmem>> -> memref<128xi32, #tpu.memory_space<vmem>>
      %dma_start3A_713 = arith.constant 0 : i32
      %dma_start3A_714 = arith.constant 0 : i32
      %dma_start3A_715 = tpu.memref_slice %arg16[%dma_start3A_713, %dma_start3A_714] : memref<10240x128xf32, #tpu.memory_space<vmem_shared>> -> memref<10240x128xf32, #tpu.memory_space<vmem_shared>>
      tpu.enqueue_indirect_dma source(%arg14 : memref<128x128xf32, #tpu.memory_space<vmem>>) target(%dma_start3A_715 : memref<10240x128xf32, #tpu.memory_space<vmem_shared>>) offsets(%dma_start3A_712 : memref<128xi32, #tpu.memory_space<vmem>>) semaphore(%arg27 : memref<!tpu.dma_semaphore, #tpu.memory_space<semaphore_mem>>) {add = true}
      %add3A_716 = arith.constant 7 : i32
      %add3A_717 = arith.addi %add3A_678, %add3A_716 : i32
      %mul3A_718 = arith.constant 128 : i32
      %mul3A_719 = arith.muli %add3A_717, %mul3A_718 : i32
      %add3A_720 = arith.addi %mul3A_2, %mul3A_719 : i32
      %dma_start3A_721 = arith.constant 0 : i32
      %dma_start3A_722 = tpu.memref_slice %arg3[%dma_start3A_721, %add3A_720] : memref<2x327680xi32, #tpu.memory_space<hbm>> -> memref<2x128xi32, #tpu.memory_space<hbm>>
      %dma_start3A_723 = arith.constant 0 : i32
      %dma_start3A_724 = tpu.memref_slice %arg3[%dma_start3A_723, %add3A_720] : memref<2x327680xi32, #tpu.memory_space<hbm>> -> memref<2x128xi32, #tpu.memory_space<hbm>>
      tpu.enqueue_dma source(%dma_start3A_724 : memref<2x128xi32, #tpu.memory_space<hbm>>) target(%arg13 : memref<2x128xi32, #tpu.memory_space<vmem>>) target_semaphore(%arg24 : memref<!tpu.dma_semaphore, #tpu.memory_space<semaphore_mem>>)
    }
    %scan3A_95 = arith.constant 9 : i32
    %add3A_96 = arith.constant 9472 : i32
    %add3A_97 = arith.addi %mul3A_2, %add3A_96 : i32
    %dma_wait3A_98 = arith.constant 0 : i32
    %dma_wait3A_99 = tpu.memref_slice %arg3[%dma_wait3A_98, %add3A_97] : memref<2x327680xi32, #tpu.memory_space<hbm>> -> memref<2x128xi32, #tpu.memory_space<hbm>>
    %dma_wait3A_100 = arith.constant 0 : i32
    %dma_wait3A_101 = tpu.memref_slice %arg3[%dma_wait3A_100, %add3A_97] : memref<2x327680xi32, #tpu.memory_space<hbm>> -> memref<2x128xi32, #tpu.memory_space<hbm>>
    tpu.wait_dma2 semaphore(%arg19 : memref<!tpu.dma_semaphore, #tpu.memory_space<semaphore_mem>>) src(%dma_wait3A_101 : memref<2x128xi32, #tpu.memory_space<hbm>>) dst(%arg8 : memref<2x128xi32, #tpu.memory_space<vmem>>)
    %dma_wait3A_102 = arith.constant 1 : i32
    %dma_wait3A_103 = arith.constant 0 : i32
    %dma_wait3A_104 = tpu.memref_slice %arg6[%dma_wait3A_102, %dma_wait3A_103] : memref<2x128xi32, #tpu.memory_space<vmem>> -> memref<1x128xi32, #tpu.memory_space<vmem>>
    %dma_wait3A_105 = tpu.memref_squeeze %dma_wait3A_104 : memref<1x128xi32, #tpu.memory_space<vmem>> -> memref<128xi32, #tpu.memory_space<vmem>>
    %dma_wait3A_106 = arith.constant 0 : i32
    %dma_wait3A_107 = arith.constant 0 : i32
    %dma_wait3A_108 = tpu.memref_slice %arg16[%dma_wait3A_106, %dma_wait3A_107] : memref<10240x128xf32, #tpu.memory_space<vmem_shared>> -> memref<10240x128xf32, #tpu.memory_space<vmem_shared>>
    tpu.wait_indirect_dma semaphore(%arg27 : memref<!tpu.dma_semaphore, #tpu.memory_space<semaphore_mem>>) src(%arg14 : memref<128x128xf32, #tpu.memory_space<vmem>>) dst(%dma_wait3A_108 : memref<10240x128xf32, #tpu.memory_space<vmem_shared>>)
    %dma_start3A_109 = arith.constant 0 : i32
    %dma_start3A_110 = arith.constant 0 : i32
    %dma_start3A_111 = tpu.memref_slice %arg8[%dma_start3A_109, %dma_start3A_110] : memref<2x128xi32, #tpu.memory_space<vmem>> -> memref<1x128xi32, #tpu.memory_space<vmem>>
    %dma_start3A_112 = tpu.memref_squeeze %dma_start3A_111 : memref<1x128xi32, #tpu.memory_space<vmem>> -> memref<128xi32, #tpu.memory_space<vmem>>
    %dma_start3A_113 = arith.constant 0 : i32
    %dma_start3A_114 = arith.constant 0 : i32
    %dma_start3A_115 = tpu.memref_slice %arg2[%dma_start3A_113, %dma_start3A_114] : memref<10000x128xf32, #tpu.memory_space<hbm>> -> memref<10000x128xf32, #tpu.memory_space<hbm>>
    tpu.enqueue_indirect_dma source(%dma_start3A_115 : memref<10000x128xf32, #tpu.memory_space<hbm>>) target(%arg14 : memref<128x128xf32, #tpu.memory_space<vmem>>) offsets(%dma_start3A_112 : memref<128xi32, #tpu.memory_space<vmem>>) semaphore(%arg25 : memref<!tpu.dma_semaphore, #tpu.memory_space<semaphore_mem>>)
    %dma_wait3A_116 = arith.constant 0 : i32
    %dma_wait3A_117 = arith.constant 0 : i32
    %dma_wait3A_118 = tpu.memref_slice %arg7[%dma_wait3A_116, %dma_wait3A_117] : memref<2x128xi32, #tpu.memory_space<vmem>> -> memref<1x128xi32, #tpu.memory_space<vmem>>
    %dma_wait3A_119 = tpu.memref_squeeze %dma_wait3A_118 : memref<1x128xi32, #tpu.memory_space<vmem>> -> memref<128xi32, #tpu.memory_space<vmem>>
    %dma_wait3A_120 = arith.constant 0 : i32
    %dma_wait3A_121 = arith.constant 0 : i32
    %dma_wait3A_122 = tpu.memref_slice %arg2[%dma_wait3A_120, %dma_wait3A_121] : memref<10000x128xf32, #tpu.memory_space<hbm>> -> memref<10000x128xf32, #tpu.memory_space<hbm>>
    tpu.wait_indirect_dma semaphore(%arg26 : memref<!tpu.dma_semaphore, #tpu.memory_space<semaphore_mem>>) src(%dma_wait3A_122 : memref<10000x128xf32, #tpu.memory_space<hbm>>) dst(%arg15 : memref<128x128xf32, #tpu.memory_space<vmem>>)
    %dma_start3A_123 = arith.constant 1 : i32
    %dma_start3A_124 = arith.constant 0 : i32
    %dma_start3A_125 = tpu.memref_slice %arg7[%dma_start3A_123, %dma_start3A_124] : memref<2x128xi32, #tpu.memory_space<vmem>> -> memref<1x128xi32, #tpu.memory_space<vmem>>
    %dma_start3A_126 = tpu.memref_squeeze %dma_start3A_125 : memref<1x128xi32, #tpu.memory_space<vmem>> -> memref<128xi32, #tpu.memory_space<vmem>>
    %dma_start3A_127 = arith.constant 0 : i32
    %dma_start3A_128 = arith.constant 0 : i32
    %dma_start3A_129 = tpu.memref_slice %arg16[%dma_start3A_127, %dma_start3A_128] : memref<10240x128xf32, #tpu.memory_space<vmem_shared>> -> memref<10240x128xf32, #tpu.memory_space<vmem_shared>>
    tpu.enqueue_indirect_dma source(%arg15 : memref<128x128xf32, #tpu.memory_space<vmem>>) target(%dma_start3A_129 : memref<10240x128xf32, #tpu.memory_space<vmem_shared>>) offsets(%dma_start3A_126 : memref<128xi32, #tpu.memory_space<vmem>>) semaphore(%arg28 : memref<!tpu.dma_semaphore, #tpu.memory_space<semaphore_mem>>) {add = true}
    %add3A_130 = arith.constant 9600 : i32
    %add3A_131 = arith.addi %mul3A_2, %add3A_130 : i32
    %dma_wait3A_132 = arith.constant 0 : i32
    %dma_wait3A_133 = tpu.memref_slice %arg3[%dma_wait3A_132, %add3A_131] : memref<2x327680xi32, #tpu.memory_space<hbm>> -> memref<2x128xi32, #tpu.memory_space<hbm>>
    %dma_wait3A_134 = arith.constant 0 : i32
    %dma_wait3A_135 = tpu.memref_slice %arg3[%dma_wait3A_134, %add3A_131] : memref<2x327680xi32, #tpu.memory_space<hbm>> -> memref<2x128xi32, #tpu.memory_space<hbm>>
    tpu.wait_dma2 semaphore(%arg20 : memref<!tpu.dma_semaphore, #tpu.memory_space<semaphore_mem>>) src(%dma_wait3A_135 : memref<2x128xi32, #tpu.memory_space<hbm>>) dst(%arg9 : memref<2x128xi32, #tpu.memory_space<vmem>>)
    %dma_wait3A_136 = arith.constant 1 : i32
    %dma_wait3A_137 = arith.constant 0 : i32
    %dma_wait3A_138 = tpu.memref_slice %arg7[%dma_wait3A_136, %dma_wait3A_137] : memref<2x128xi32, #tpu.memory_space<vmem>> -> memref<1x128xi32, #tpu.memory_space<vmem>>
    %dma_wait3A_139 = tpu.memref_squeeze %dma_wait3A_138 : memref<1x128xi32, #tpu.memory_space<vmem>> -> memref<128xi32, #tpu.memory_space<vmem>>
    %dma_wait3A_140 = arith.constant 0 : i32
    %dma_wait3A_141 = arith.constant 0 : i32
    %dma_wait3A_142 = tpu.memref_slice %arg16[%dma_wait3A_140, %dma_wait3A_141] : memref<10240x128xf32, #tpu.memory_space<vmem_shared>> -> memref<10240x128xf32, #tpu.memory_space<vmem_shared>>
    tpu.wait_indirect_dma semaphore(%arg28 : memref<!tpu.dma_semaphore, #tpu.memory_space<semaphore_mem>>) src(%arg15 : memref<128x128xf32, #tpu.memory_space<vmem>>) dst(%dma_wait3A_142 : memref<10240x128xf32, #tpu.memory_space<vmem_shared>>)
    %dma_start3A_143 = arith.constant 0 : i32
    %dma_start3A_144 = arith.constant 0 : i32
    %dma_start3A_145 = tpu.memref_slice %arg9[%dma_start3A_143, %dma_start3A_144] : memref<2x128xi32, #tpu.memory_space<vmem>> -> memref<1x128xi32, #tpu.memory_space<vmem>>
    %dma_start3A_146 = tpu.memref_squeeze %dma_start3A_145 : memref<1x128xi32, #tpu.memory_space<vmem>> -> memref<128xi32, #tpu.memory_space<vmem>>
    %dma_start3A_147 = arith.constant 0 : i32
    %dma_start3A_148 = arith.constant 0 : i32
    %dma_start3A_149 = tpu.memref_slice %arg2[%dma_start3A_147, %dma_start3A_148] : memref<10000x128xf32, #tpu.memory_space<hbm>> -> memref<10000x128xf32, #tpu.memory_space<hbm>>
    tpu.enqueue_indirect_dma source(%dma_start3A_149 : memref<10000x128xf32, #tpu.memory_space<hbm>>) target(%arg15 : memref<128x128xf32, #tpu.memory_space<vmem>>) offsets(%dma_start3A_146 : memref<128xi32, #tpu.memory_space<vmem>>) semaphore(%arg26 : memref<!tpu.dma_semaphore, #tpu.memory_space<semaphore_mem>>)
    %dma_wait3A_150 = arith.constant 0 : i32
    %dma_wait3A_151 = arith.constant 0 : i32
    %dma_wait3A_152 = tpu.memref_slice %arg8[%dma_wait3A_150, %dma_wait3A_151] : memref<2x128xi32, #tpu.memory_space<vmem>> -> memref<1x128xi32, #tpu.memory_space<vmem>>
    %dma_wait3A_153 = tpu.memref_squeeze %dma_wait3A_152 : memref<1x128xi32, #tpu.memory_space<vmem>> -> memref<128xi32, #tpu.memory_space<vmem>>
    %dma_wait3A_154 = arith.constant 0 : i32
    %dma_wait3A_155 = arith.constant 0 : i32
    %dma_wait3A_156 = tpu.memref_slice %arg2[%dma_wait3A_154, %dma_wait3A_155] : memref<10000x128xf32, #tpu.memory_space<hbm>> -> memref<10000x128xf32, #tpu.memory_space<hbm>>
    tpu.wait_indirect_dma semaphore(%arg25 : memref<!tpu.dma_semaphore, #tpu.memory_space<semaphore_mem>>) src(%dma_wait3A_156 : memref<10000x128xf32, #tpu.memory_space<hbm>>) dst(%arg14 : memref<128x128xf32, #tpu.memory_space<vmem>>)
    %dma_start3A_157 = arith.constant 1 : i32
    %dma_start3A_158 = arith.constant 0 : i32
    %dma_start3A_159 = tpu.memref_slice %arg8[%dma_start3A_157, %dma_start3A_158] : memref<2x128xi32, #tpu.memory_space<vmem>> -> memref<1x128xi32, #tpu.memory_space<vmem>>
    %dma_start3A_160 = tpu.memref_squeeze %dma_start3A_159 : memref<1x128xi32, #tpu.memory_space<vmem>> -> memref<128xi32, #tpu.memory_space<vmem>>
    %dma_start3A_161 = arith.constant 0 : i32
    %dma_start3A_162 = arith.constant 0 : i32
    %dma_start3A_163 = tpu.memref_slice %arg16[%dma_start3A_161, %dma_start3A_162] : memref<10240x128xf32, #tpu.memory_space<vmem_shared>> -> memref<10240x128xf32, #tpu.memory_space<vmem_shared>>
    tpu.enqueue_indirect_dma source(%arg14 : memref<128x128xf32, #tpu.memory_space<vmem>>) target(%dma_start3A_163 : memref<10240x128xf32, #tpu.memory_space<vmem_shared>>) offsets(%dma_start3A_160 : memref<128xi32, #tpu.memory_space<vmem>>) semaphore(%arg27 : memref<!tpu.dma_semaphore, #tpu.memory_space<semaphore_mem>>) {add = true}
    %add3A_164 = arith.constant 9728 : i32
    %add3A_165 = arith.addi %mul3A_2, %add3A_164 : i32
    %dma_wait3A_166 = arith.constant 0 : i32
    %dma_wait3A_167 = tpu.memref_slice %arg3[%dma_wait3A_166, %add3A_165] : memref<2x327680xi32, #tpu.memory_space<hbm>> -> memref<2x128xi32, #tpu.memory_space<hbm>>
    %dma_wait3A_168 = arith.constant 0 : i32
    %dma_wait3A_169 = tpu.memref_slice %arg3[%dma_wait3A_168, %add3A_165] : memref<2x327680xi32, #tpu.memory_space<hbm>> -> memref<2x128xi32, #tpu.memory_space<hbm>>
    tpu.wait_dma2 semaphore(%arg21 : memref<!tpu.dma_semaphore, #tpu.memory_space<semaphore_mem>>) src(%dma_wait3A_169 : memref<2x128xi32, #tpu.memory_space<hbm>>) dst(%arg10 : memref<2x128xi32, #tpu.memory_space<vmem>>)
    %dma_wait3A_170 = arith.constant 1 : i32
    %dma_wait3A_171 = arith.constant 0 : i32
    %dma_wait3A_172 = tpu.memref_slice %arg8[%dma_wait3A_170, %dma_wait3A_171] : memref<2x128xi32, #tpu.memory_space<vmem>> -> memref<1x128xi32, #tpu.memory_space<vmem>>
    %dma_wait3A_173 = tpu.memref_squeeze %dma_wait3A_172 : memref<1x128xi32, #tpu.memory_space<vmem>> -> memref<128xi32, #tpu.memory_space<vmem>>
    %dma_wait3A_174 = arith.constant 0 : i32
    %dma_wait3A_175 = arith.constant 0 : i32
    %dma_wait3A_176 = tpu.memref_slice %arg16[%dma_wait3A_174, %dma_wait3A_175] : memref<10240x128xf32, #tpu.memory_space<vmem_shared>> -> memref<10240x128xf32, #tpu.memory_space<vmem_shared>>
    tpu.wait_indirect_dma semaphore(%arg27 : memref<!tpu.dma_semaphore, #tpu.memory_space<semaphore_mem>>) src(%arg14 : memref<128x128xf32, #tpu.memory_space<vmem>>) dst(%dma_wait3A_176 : memref<10240x128xf32, #tpu.memory_space<vmem_shared>>)
    %dma_start3A_177 = arith.constant 0 : i32
    %dma_start3A_178 = arith.constant 0 : i32
    %dma_start3A_179 = tpu.memref_slice %arg10[%dma_start3A_177, %dma_start3A_178] : memref<2x128xi32, #tpu.memory_space<vmem>> -> memref<1x128xi32, #tpu.memory_space<vmem>>
    %dma_start3A_180 = tpu.memref_squeeze %dma_start3A_179 : memref<1x128xi32, #tpu.memory_space<vmem>> -> memref<128xi32, #tpu.memory_space<vmem>>
    %dma_start3A_181 = arith.constant 0 : i32
    %dma_start3A_182 = arith.constant 0 : i32
    %dma_start3A_183 = tpu.memref_slice %arg2[%dma_start3A_181, %dma_start3A_182] : memref<10000x128xf32, #tpu.memory_space<hbm>> -> memref<10000x128xf32, #tpu.memory_space<hbm>>
    tpu.enqueue_indirect_dma source(%dma_start3A_183 : memref<10000x128xf32, #tpu.memory_space<hbm>>) target(%arg14 : memref<128x128xf32, #tpu.memory_space<vmem>>) offsets(%dma_start3A_180 : memref<128xi32, #tpu.memory_space<vmem>>) semaphore(%arg25 : memref<!tpu.dma_semaphore, #tpu.memory_space<semaphore_mem>>)
    %dma_wait3A_184 = arith.constant 0 : i32
    %dma_wait3A_185 = arith.constant 0 : i32
    %dma_wait3A_186 = tpu.memref_slice %arg9[%dma_wait3A_184, %dma_wait3A_185] : memref<2x128xi32, #tpu.memory_space<vmem>> -> memref<1x128xi32, #tpu.memory_space<vmem>>
    %dma_wait3A_187 = tpu.memref_squeeze %dma_wait3A_186 : memref<1x128xi32, #tpu.memory_space<vmem>> -> memref<128xi32, #tpu.memory_space<vmem>>
    %dma_wait3A_188 = arith.constant 0 : i32
    %dma_wait3A_189 = arith.constant 0 : i32
    %dma_wait3A_190 = tpu.memref_slice %arg2[%dma_wait3A_188, %dma_wait3A_189] : memref<10000x128xf32, #tpu.memory_space<hbm>> -> memref<10000x128xf32, #tpu.memory_space<hbm>>
    tpu.wait_indirect_dma semaphore(%arg26 : memref<!tpu.dma_semaphore, #tpu.memory_space<semaphore_mem>>) src(%dma_wait3A_190 : memref<10000x128xf32, #tpu.memory_space<hbm>>) dst(%arg15 : memref<128x128xf32, #tpu.memory_space<vmem>>)
    %dma_start3A_191 = arith.constant 1 : i32
    %dma_start3A_192 = arith.constant 0 : i32
    %dma_start3A_193 = tpu.memref_slice %arg9[%dma_start3A_191, %dma_start3A_192] : memref<2x128xi32, #tpu.memory_space<vmem>> -> memref<1x128xi32, #tpu.memory_space<vmem>>
    %dma_start3A_194 = tpu.memref_squeeze %dma_start3A_193 : memref<1x128xi32, #tpu.memory_space<vmem>> -> memref<128xi32, #tpu.memory_space<vmem>>
    %dma_start3A_195 = arith.constant 0 : i32
    %dma_start3A_196 = arith.constant 0 : i32
    %dma_start3A_197 = tpu.memref_slice %arg16[%dma_start3A_195, %dma_start3A_196] : memref<10240x128xf32, #tpu.memory_space<vmem_shared>> -> memref<10240x128xf32, #tpu.memory_space<vmem_shared>>
    tpu.enqueue_indirect_dma source(%arg15 : memref<128x128xf32, #tpu.memory_space<vmem>>) target(%dma_start3A_197 : memref<10240x128xf32, #tpu.memory_space<vmem_shared>>) offsets(%dma_start3A_194 : memref<128xi32, #tpu.memory_space<vmem>>) semaphore(%arg28 : memref<!tpu.dma_semaphore, #tpu.memory_space<semaphore_mem>>) {add = true}
    %add3A_198 = arith.constant 9856 : i32
    %add3A_199 = arith.addi %mul3A_2, %add3A_198 : i32
    %dma_wait3A_200 = arith.constant 0 : i32
    %dma_wait3A_201 = tpu.memref_slice %arg3[%dma_wait3A_200, %add3A_199] : memref<2x327680xi32, #tpu.memory_space<hbm>> -> memref<2x128xi32, #tpu.memory_space<hbm>>
    %dma_wait3A_202 = arith.constant 0 : i32
    %dma_wait3A_203 = tpu.memref_slice %arg3[%dma_wait3A_202, %add3A_199] : memref<2x327680xi32, #tpu.memory_space<hbm>> -> memref<2x128xi32, #tpu.memory_space<hbm>>
    tpu.wait_dma2 semaphore(%arg22 : memref<!tpu.dma_semaphore, #tpu.memory_space<semaphore_mem>>) src(%dma_wait3A_203 : memref<2x128xi32, #tpu.memory_space<hbm>>) dst(%arg11 : memref<2x128xi32, #tpu.memory_space<vmem>>)
    %dma_wait3A_204 = arith.constant 1 : i32
    %dma_wait3A_205 = arith.constant 0 : i32
    %dma_wait3A_206 = tpu.memref_slice %arg9[%dma_wait3A_204, %dma_wait3A_205] : memref<2x128xi32, #tpu.memory_space<vmem>> -> memref<1x128xi32, #tpu.memory_space<vmem>>
    %dma_wait3A_207 = tpu.memref_squeeze %dma_wait3A_206 : memref<1x128xi32, #tpu.memory_space<vmem>> -> memref<128xi32, #tpu.memory_space<vmem>>
    %dma_wait3A_208 = arith.constant 0 : i32
    %dma_wait3A_209 = arith.constant 0 : i32
    %dma_wait3A_210 = tpu.memref_slice %arg16[%dma_wait3A_208, %dma_wait3A_209] : memref<10240x128xf32, #tpu.memory_space<vmem_shared>> -> memref<10240x128xf32, #tpu.memory_space<vmem_shared>>
    tpu.wait_indirect_dma semaphore(%arg28 : memref<!tpu.dma_semaphore, #tpu.memory_space<semaphore_mem>>) src(%arg15 : memref<128x128xf32, #tpu.memory_space<vmem>>) dst(%dma_wait3A_210 : memref<10240x128xf32, #tpu.memory_space<vmem_shared>>)
    %dma_start3A_211 = arith.constant 0 : i32
    %dma_start3A_212 = arith.constant 0 : i32
    %dma_start3A_213 = tpu.memref_slice %arg11[%dma_start3A_211, %dma_start3A_212] : memref<2x128xi32, #tpu.memory_space<vmem>> -> memref<1x128xi32, #tpu.memory_space<vmem>>
    %dma_start3A_214 = tpu.memref_squeeze %dma_start3A_213 : memref<1x128xi32, #tpu.memory_space<vmem>> -> memref<128xi32, #tpu.memory_space<vmem>>
    %dma_start3A_215 = arith.constant 0 : i32
    %dma_start3A_216 = arith.constant 0 : i32
    %dma_start3A_217 = tpu.memref_slice %arg2[%dma_start3A_215, %dma_start3A_216] : memref<10000x128xf32, #tpu.memory_space<hbm>> -> memref<10000x128xf32, #tpu.memory_space<hbm>>
    tpu.enqueue_indirect_dma source(%dma_start3A_217 : memref<10000x128xf32, #tpu.memory_space<hbm>>) target(%arg15 : memref<128x128xf32, #tpu.memory_space<vmem>>) offsets(%dma_start3A_214 : memref<128xi32, #tpu.memory_space<vmem>>) semaphore(%arg26 : memref<!tpu.dma_semaphore, #tpu.memory_space<semaphore_mem>>)
    %dma_wait3A_218 = arith.constant 0 : i32
    %dma_wait3A_219 = arith.constant 0 : i32
    %dma_wait3A_220 = tpu.memref_slice %arg10[%dma_wait3A_218, %dma_wait3A_219] : memref<2x128xi32, #tpu.memory_space<vmem>> -> memref<1x128xi32, #tpu.memory_space<vmem>>
    %dma_wait3A_221 = tpu.memref_squeeze %dma_wait3A_220 : memref<1x128xi32, #tpu.memory_space<vmem>> -> memref<128xi32, #tpu.memory_space<vmem>>
    %dma_wait3A_222 = arith.constant 0 : i32
    %dma_wait3A_223 = arith.constant 0 : i32
    %dma_wait3A_224 = tpu.memref_slice %arg2[%dma_wait3A_222, %dma_wait3A_223] : memref<10000x128xf32, #tpu.memory_space<hbm>> -> memref<10000x128xf32, #tpu.memory_space<hbm>>
    tpu.wait_indirect_dma semaphore(%arg25 : memref<!tpu.dma_semaphore, #tpu.memory_space<semaphore_mem>>) src(%dma_wait3A_224 : memref<10000x128xf32, #tpu.memory_space<hbm>>) dst(%arg14 : memref<128x128xf32, #tpu.memory_space<vmem>>)
    %dma_start3A_225 = arith.constant 1 : i32
    %dma_start3A_226 = arith.constant 0 : i32
    %dma_start3A_227 = tpu.memref_slice %arg10[%dma_start3A_225, %dma_start3A_226] : memref<2x128xi32, #tpu.memory_space<vmem>> -> memref<1x128xi32, #tpu.memory_space<vmem>>
    %dma_start3A_228 = tpu.memref_squeeze %dma_start3A_227 : memref<1x128xi32, #tpu.memory_space<vmem>> -> memref<128xi32, #tpu.memory_space<vmem>>
    %dma_start3A_229 = arith.constant 0 : i32
    %dma_start3A_230 = arith.constant 0 : i32
    %dma_start3A_231 = tpu.memref_slice %arg16[%dma_start3A_229, %dma_start3A_230] : memref<10240x128xf32, #tpu.memory_space<vmem_shared>> -> memref<10240x128xf32, #tpu.memory_space<vmem_shared>>
    tpu.enqueue_indirect_dma source(%arg14 : memref<128x128xf32, #tpu.memory_space<vmem>>) target(%dma_start3A_231 : memref<10240x128xf32, #tpu.memory_space<vmem_shared>>) offsets(%dma_start3A_228 : memref<128xi32, #tpu.memory_space<vmem>>) semaphore(%arg27 : memref<!tpu.dma_semaphore, #tpu.memory_space<semaphore_mem>>) {add = true}
    %add3A_232 = arith.constant 9984 : i32
    %add3A_233 = arith.addi %mul3A_2, %add3A_232 : i32
    %dma_wait3A_234 = arith.constant 0 : i32
    %dma_wait3A_235 = tpu.memref_slice %arg3[%dma_wait3A_234, %add3A_233] : memref<2x327680xi32, #tpu.memory_space<hbm>> -> memref<2x128xi32, #tpu.memory_space<hbm>>
    %dma_wait3A_236 = arith.constant 0 : i32
    %dma_wait3A_237 = tpu.memref_slice %arg3[%dma_wait3A_236, %add3A_233] : memref<2x327680xi32, #tpu.memory_space<hbm>> -> memref<2x128xi32, #tpu.memory_space<hbm>>
    tpu.wait_dma2 semaphore(%arg23 : memref<!tpu.dma_semaphore, #tpu.memory_space<semaphore_mem>>) src(%dma_wait3A_237 : memref<2x128xi32, #tpu.memory_space<hbm>>) dst(%arg12 : memref<2x128xi32, #tpu.memory_space<vmem>>)
    %dma_wait3A_238 = arith.constant 1 : i32
    %dma_wait3A_239 = arith.constant 0 : i32
    %dma_wait3A_240 = tpu.memref_slice %arg10[%dma_wait3A_238, %dma_wait3A_239] : memref<2x128xi32, #tpu.memory_space<vmem>> -> memref<1x128xi32, #tpu.memory_space<vmem>>
    %dma_wait3A_241 = tpu.memref_squeeze %dma_wait3A_240 : memref<1x128xi32, #tpu.memory_space<vmem>> -> memref<128xi32, #tpu.memory_space<vmem>>
    %dma_wait3A_242 = arith.constant 0 : i32
    %dma_wait3A_243 = arith.constant 0 : i32
    %dma_wait3A_244 = tpu.memref_slice %arg16[%dma_wait3A_242, %dma_wait3A_243] : memref<10240x128xf32, #tpu.memory_space<vmem_shared>> -> memref<10240x128xf32, #tpu.memory_space<vmem_shared>>
    tpu.wait_indirect_dma semaphore(%arg27 : memref<!tpu.dma_semaphore, #tpu.memory_space<semaphore_mem>>) src(%arg14 : memref<128x128xf32, #tpu.memory_space<vmem>>) dst(%dma_wait3A_244 : memref<10240x128xf32, #tpu.memory_space<vmem_shared>>)
    %dma_start3A_245 = arith.constant 0 : i32
    %dma_start3A_246 = arith.constant 0 : i32
    %dma_start3A_247 = tpu.memref_slice %arg12[%dma_start3A_245, %dma_start3A_246] : memref<2x128xi32, #tpu.memory_space<vmem>> -> memref<1x128xi32, #tpu.memory_space<vmem>>
    %dma_start3A_248 = tpu.memref_squeeze %dma_start3A_247 : memref<1x128xi32, #tpu.memory_space<vmem>> -> memref<128xi32, #tpu.memory_space<vmem>>
    %dma_start3A_249 = arith.constant 0 : i32
    %dma_start3A_250 = arith.constant 0 : i32
    %dma_start3A_251 = tpu.memref_slice %arg2[%dma_start3A_249, %dma_start3A_250] : memref<10000x128xf32, #tpu.memory_space<hbm>> -> memref<10000x128xf32, #tpu.memory_space<hbm>>
    tpu.enqueue_indirect_dma source(%dma_start3A_251 : memref<10000x128xf32, #tpu.memory_space<hbm>>) target(%arg14 : memref<128x128xf32, #tpu.memory_space<vmem>>) offsets(%dma_start3A_248 : memref<128xi32, #tpu.memory_space<vmem>>) semaphore(%arg25 : memref<!tpu.dma_semaphore, #tpu.memory_space<semaphore_mem>>)
    %dma_wait3A_252 = arith.constant 0 : i32
    %dma_wait3A_253 = arith.constant 0 : i32
    %dma_wait3A_254 = tpu.memref_slice %arg11[%dma_wait3A_252, %dma_wait3A_253] : memref<2x128xi32, #tpu.memory_space<vmem>> -> memref<1x128xi32, #tpu.memory_space<vmem>>
    %dma_wait3A_255 = tpu.memref_squeeze %dma_wait3A_254 : memref<1x128xi32, #tpu.memory_space<vmem>> -> memref<128xi32, #tpu.memory_space<vmem>>
    %dma_wait3A_256 = arith.constant 0 : i32
    %dma_wait3A_257 = arith.constant 0 : i32
    %dma_wait3A_258 = tpu.memref_slice %arg2[%dma_wait3A_256, %dma_wait3A_257] : memref<10000x128xf32, #tpu.memory_space<hbm>> -> memref<10000x128xf32, #tpu.memory_space<hbm>>
    tpu.wait_indirect_dma semaphore(%arg26 : memref<!tpu.dma_semaphore, #tpu.memory_space<semaphore_mem>>) src(%dma_wait3A_258 : memref<10000x128xf32, #tpu.memory_space<hbm>>) dst(%arg15 : memref<128x128xf32, #tpu.memory_space<vmem>>)
    %dma_start3A_259 = arith.constant 1 : i32
    %dma_start3A_260 = arith.constant 0 : i32
    %dma_start3A_261 = tpu.memref_slice %arg11[%dma_start3A_259, %dma_start3A_260] : memref<2x128xi32, #tpu.memory_space<vmem>> -> memref<1x128xi32, #tpu.memory_space<vmem>>
    %dma_start3A_262 = tpu.memref_squeeze %dma_start3A_261 : memref<1x128xi32, #tpu.memory_space<vmem>> -> memref<128xi32, #tpu.memory_space<vmem>>
    %dma_start3A_263 = arith.constant 0 : i32
    %dma_start3A_264 = arith.constant 0 : i32
    %dma_start3A_265 = tpu.memref_slice %arg16[%dma_start3A_263, %dma_start3A_264] : memref<10240x128xf32, #tpu.memory_space<vmem_shared>> -> memref<10240x128xf32, #tpu.memory_space<vmem_shared>>
    tpu.enqueue_indirect_dma source(%arg15 : memref<128x128xf32, #tpu.memory_space<vmem>>) target(%dma_start3A_265 : memref<10240x128xf32, #tpu.memory_space<vmem_shared>>) offsets(%dma_start3A_262 : memref<128xi32, #tpu.memory_space<vmem>>) semaphore(%arg28 : memref<!tpu.dma_semaphore, #tpu.memory_space<semaphore_mem>>) {add = true}
    %add3A_266 = arith.constant 10112 : i32
    %add3A_267 = arith.addi %mul3A_2, %add3A_266 : i32
    %dma_wait3A_268 = arith.constant 0 : i32
    %dma_wait3A_269 = tpu.memref_slice %arg3[%dma_wait3A_268, %add3A_267] : memref<2x327680xi32, #tpu.memory_space<hbm>> -> memref<2x128xi32, #tpu.memory_space<hbm>>
    %dma_wait3A_270 = arith.constant 0 : i32
    %dma_wait3A_271 = tpu.memref_slice %arg3[%dma_wait3A_270, %add3A_267] : memref<2x327680xi32, #tpu.memory_space<hbm>> -> memref<2x128xi32, #tpu.memory_space<hbm>>
    tpu.wait_dma2 semaphore(%arg24 : memref<!tpu.dma_semaphore, #tpu.memory_space<semaphore_mem>>) src(%dma_wait3A_271 : memref<2x128xi32, #tpu.memory_space<hbm>>) dst(%arg13 : memref<2x128xi32, #tpu.memory_space<vmem>>)
    %dma_wait3A_272 = arith.constant 1 : i32
    %dma_wait3A_273 = arith.constant 0 : i32
    %dma_wait3A_274 = tpu.memref_slice %arg11[%dma_wait3A_272, %dma_wait3A_273] : memref<2x128xi32, #tpu.memory_space<vmem>> -> memref<1x128xi32, #tpu.memory_space<vmem>>
    %dma_wait3A_275 = tpu.memref_squeeze %dma_wait3A_274 : memref<1x128xi32, #tpu.memory_space<vmem>> -> memref<128xi32, #tpu.memory_space<vmem>>
    %dma_wait3A_276 = arith.constant 0 : i32
    %dma_wait3A_277 = arith.constant 0 : i32
    %dma_wait3A_278 = tpu.memref_slice %arg16[%dma_wait3A_276, %dma_wait3A_277] : memref<10240x128xf32, #tpu.memory_space<vmem_shared>> -> memref<10240x128xf32, #tpu.memory_space<vmem_shared>>
    tpu.wait_indirect_dma semaphore(%arg28 : memref<!tpu.dma_semaphore, #tpu.memory_space<semaphore_mem>>) src(%arg15 : memref<128x128xf32, #tpu.memory_space<vmem>>) dst(%dma_wait3A_278 : memref<10240x128xf32, #tpu.memory_space<vmem_shared>>)
    %dma_start3A_279 = arith.constant 0 : i32
    %dma_start3A_280 = arith.constant 0 : i32
    %dma_start3A_281 = tpu.memref_slice %arg13[%dma_start3A_279, %dma_start3A_280] : memref<2x128xi32, #tpu.memory_space<vmem>> -> memref<1x128xi32, #tpu.memory_space<vmem>>
    %dma_start3A_282 = tpu.memref_squeeze %dma_start3A_281 : memref<1x128xi32, #tpu.memory_space<vmem>> -> memref<128xi32, #tpu.memory_space<vmem>>
    %dma_start3A_283 = arith.constant 0 : i32
    %dma_start3A_284 = arith.constant 0 : i32
    %dma_start3A_285 = tpu.memref_slice %arg2[%dma_start3A_283, %dma_start3A_284] : memref<10000x128xf32, #tpu.memory_space<hbm>> -> memref<10000x128xf32, #tpu.memory_space<hbm>>
    tpu.enqueue_indirect_dma source(%dma_start3A_285 : memref<10000x128xf32, #tpu.memory_space<hbm>>) target(%arg15 : memref<128x128xf32, #tpu.memory_space<vmem>>) offsets(%dma_start3A_282 : memref<128xi32, #tpu.memory_space<vmem>>) semaphore(%arg26 : memref<!tpu.dma_semaphore, #tpu.memory_space<semaphore_mem>>)
    %dma_wait3A_286 = arith.constant 0 : i32
    %dma_wait3A_287 = arith.constant 0 : i32
    %dma_wait3A_288 = tpu.memref_slice %arg12[%dma_wait3A_286, %dma_wait3A_287] : memref<2x128xi32, #tpu.memory_space<vmem>> -> memref<1x128xi32, #tpu.memory_space<vmem>>
    %dma_wait3A_289 = tpu.memref_squeeze %dma_wait3A_288 : memref<1x128xi32, #tpu.memory_space<vmem>> -> memref<128xi32, #tpu.memory_space<vmem>>
    %dma_wait3A_290 = arith.constant 0 : i32
    %dma_wait3A_291 = arith.constant 0 : i32
    %dma_wait3A_292 = tpu.memref_slice %arg2[%dma_wait3A_290, %dma_wait3A_291] : memref<10000x128xf32, #tpu.memory_space<hbm>> -> memref<10000x128xf32, #tpu.memory_space<hbm>>
    tpu.wait_indirect_dma semaphore(%arg25 : memref<!tpu.dma_semaphore, #tpu.memory_space<semaphore_mem>>) src(%dma_wait3A_292 : memref<10000x128xf32, #tpu.memory_space<hbm>>) dst(%arg14 : memref<128x128xf32, #tpu.memory_space<vmem>>)
    %dma_start3A_293 = arith.constant 1 : i32
    %dma_start3A_294 = arith.constant 0 : i32
    %dma_start3A_295 = tpu.memref_slice %arg12[%dma_start3A_293, %dma_start3A_294] : memref<2x128xi32, #tpu.memory_space<vmem>> -> memref<1x128xi32, #tpu.memory_space<vmem>>
    %dma_start3A_296 = tpu.memref_squeeze %dma_start3A_295 : memref<1x128xi32, #tpu.memory_space<vmem>> -> memref<128xi32, #tpu.memory_space<vmem>>
    %dma_start3A_297 = arith.constant 0 : i32
    %dma_start3A_298 = arith.constant 0 : i32
    %dma_start3A_299 = tpu.memref_slice %arg16[%dma_start3A_297, %dma_start3A_298] : memref<10240x128xf32, #tpu.memory_space<vmem_shared>> -> memref<10240x128xf32, #tpu.memory_space<vmem_shared>>
    tpu.enqueue_indirect_dma source(%arg14 : memref<128x128xf32, #tpu.memory_space<vmem>>) target(%dma_start3A_299 : memref<10240x128xf32, #tpu.memory_space<vmem_shared>>) offsets(%dma_start3A_296 : memref<128xi32, #tpu.memory_space<vmem>>) semaphore(%arg27 : memref<!tpu.dma_semaphore, #tpu.memory_space<semaphore_mem>>) {add = true}
    %dma_wait3A_300 = arith.constant 1 : i32
    %dma_wait3A_301 = arith.constant 0 : i32
    %dma_wait3A_302 = tpu.memref_slice %arg12[%dma_wait3A_300, %dma_wait3A_301] : memref<2x128xi32, #tpu.memory_space<vmem>> -> memref<1x128xi32, #tpu.memory_space<vmem>>
    %dma_wait3A_303 = tpu.memref_squeeze %dma_wait3A_302 : memref<1x128xi32, #tpu.memory_space<vmem>> -> memref<128xi32, #tpu.memory_space<vmem>>
    %dma_wait3A_304 = arith.constant 0 : i32
    %dma_wait3A_305 = arith.constant 0 : i32
    %dma_wait3A_306 = tpu.memref_slice %arg16[%dma_wait3A_304, %dma_wait3A_305] : memref<10240x128xf32, #tpu.memory_space<vmem_shared>> -> memref<10240x128xf32, #tpu.memory_space<vmem_shared>>
    tpu.wait_indirect_dma semaphore(%arg27 : memref<!tpu.dma_semaphore, #tpu.memory_space<semaphore_mem>>) src(%arg14 : memref<128x128xf32, #tpu.memory_space<vmem>>) dst(%dma_wait3A_306 : memref<10240x128xf32, #tpu.memory_space<vmem_shared>>)
    %dma_wait3A_307 = arith.constant 0 : i32
    %dma_wait3A_308 = arith.constant 0 : i32
    %dma_wait3A_309 = tpu.memref_slice %arg13[%dma_wait3A_307, %dma_wait3A_308] : memref<2x128xi32, #tpu.memory_space<vmem>> -> memref<1x128xi32, #tpu.memory_space<vmem>>
    %dma_wait3A_310 = tpu.memref_squeeze %dma_wait3A_309 : memref<1x128xi32, #tpu.memory_space<vmem>> -> memref<128xi32, #tpu.memory_space<vmem>>
    %dma_wait3A_311 = arith.constant 0 : i32
    %dma_wait3A_312 = arith.constant 0 : i32
    %dma_wait3A_313 = tpu.memref_slice %arg2[%dma_wait3A_311, %dma_wait3A_312] : memref<10000x128xf32, #tpu.memory_space<hbm>> -> memref<10000x128xf32, #tpu.memory_space<hbm>>
    tpu.wait_indirect_dma semaphore(%arg26 : memref<!tpu.dma_semaphore, #tpu.memory_space<semaphore_mem>>) src(%dma_wait3A_313 : memref<10000x128xf32, #tpu.memory_space<hbm>>) dst(%arg15 : memref<128x128xf32, #tpu.memory_space<vmem>>)
    %dma_start3A_314 = arith.constant 1 : i32
    %dma_start3A_315 = arith.constant 0 : i32
    %dma_start3A_316 = tpu.memref_slice %arg13[%dma_start3A_314, %dma_start3A_315] : memref<2x128xi32, #tpu.memory_space<vmem>> -> memref<1x128xi32, #tpu.memory_space<vmem>>
    %dma_start3A_317 = tpu.memref_squeeze %dma_start3A_316 : memref<1x128xi32, #tpu.memory_space<vmem>> -> memref<128xi32, #tpu.memory_space<vmem>>
    %dma_start3A_318 = arith.constant 0 : i32
    %dma_start3A_319 = arith.constant 0 : i32
    %dma_start3A_320 = tpu.memref_slice %arg16[%dma_start3A_318, %dma_start3A_319] : memref<10240x128xf32, #tpu.memory_space<vmem_shared>> -> memref<10240x128xf32, #tpu.memory_space<vmem_shared>>
    tpu.enqueue_indirect_dma source(%arg15 : memref<128x128xf32, #tpu.memory_space<vmem>>) target(%dma_start3A_320 : memref<10240x128xf32, #tpu.memory_space<vmem_shared>>) offsets(%dma_start3A_317 : memref<128xi32, #tpu.memory_space<vmem>>) semaphore(%arg28 : memref<!tpu.dma_semaphore, #tpu.memory_space<semaphore_mem>>) {add = true}
    %dma_wait3A_321 = arith.constant 1 : i32
    %dma_wait3A_322 = arith.constant 0 : i32
    %dma_wait3A_323 = tpu.memref_slice %arg13[%dma_wait3A_321, %dma_wait3A_322] : memref<2x128xi32, #tpu.memory_space<vmem>> -> memref<1x128xi32, #tpu.memory_space<vmem>>
    %dma_wait3A_324 = tpu.memref_squeeze %dma_wait3A_323 : memref<1x128xi32, #tpu.memory_space<vmem>> -> memref<128xi32, #tpu.memory_space<vmem>>
    %dma_wait3A_325 = arith.constant 0 : i32
    %dma_wait3A_326 = arith.constant 0 : i32
    %dma_wait3A_327 = tpu.memref_slice %arg16[%dma_wait3A_325, %dma_wait3A_326] : memref<10240x128xf32, #tpu.memory_space<vmem_shared>> -> memref<10240x128xf32, #tpu.memory_space<vmem_shared>>
    tpu.wait_indirect_dma semaphore(%arg28 : memref<!tpu.dma_semaphore, #tpu.memory_space<semaphore_mem>>) src(%arg15 : memref<128x128xf32, #tpu.memory_space<vmem>>) dst(%dma_wait3A_327 : memref<10240x128xf32, #tpu.memory_space<vmem_shared>>)
    %barrier3A_328 = arith.constant 0 : index
    tpu.barrier barrier_id(%barrier3A_328)
    %mul3A_329 = arith.constant 10240 : i32
    %mul3A_330 = arith.muli %arg0, %mul3A_329 : i32
    %mul3A_331 = arith.constant 640 : i32
    %mul3A_332 = arith.muli %arg1, %mul3A_331 : i32
    %add3A_333 = arith.addi %mul3A_330, %mul3A_332 : i32
    %mul3A_334 = arith.constant 640 : i32
    %mul3A_335 = arith.muli %arg1, %mul3A_334 : i32
    "tpu.region"() ({
      %run_scoped3A = tpu.sem_alloc : memref<!tpu.dma_semaphore, #tpu.memory_space<semaphore_mem>>
      %dma_start3A_336 = arith.constant 0 : i32
      %dma_start3A_337 = tpu.memref_slice %arg5[%add3A_333, %dma_start3A_336] : memref<20480x128xf32, #tpu.memory_space<hbm>> -> memref<640x128xf32, #tpu.memory_space<hbm>>
      %dma_start3A_338 = arith.constant 0 : i32
      %dma_start3A_339 = tpu.memref_slice %arg16[%mul3A_335, %dma_start3A_338] : memref<10240x128xf32, #tpu.memory_space<vmem_shared>> -> memref<640x128xf32, #tpu.memory_space<vmem_shared>>
      tpu.enqueue_dma source(%dma_start3A_339 : memref<640x128xf32, #tpu.memory_space<vmem_shared>>) target(%dma_start3A_337 : memref<640x128xf32, #tpu.memory_space<hbm>>) target_semaphore(%run_scoped3A : memref<!tpu.dma_semaphore, #tpu.memory_space<semaphore_mem>>)
      %dma_wait3A_340 = arith.constant 0 : i32
      %dma_wait3A_341 = tpu.memref_slice %arg5[%add3A_333, %dma_wait3A_340] : memref<20480x128xf32, #tpu.memory_space<hbm>> -> memref<640x128xf32, #tpu.memory_space<hbm>>
      %dma_wait3A_342 = arith.constant 0 : i32
      %dma_wait3A_343 = tpu.memref_slice %arg16[%mul3A_335, %dma_wait3A_342] : memref<10240x128xf32, #tpu.memory_space<vmem_shared>> -> memref<640x128xf32, #tpu.memory_space<vmem_shared>>
      tpu.wait_dma2 semaphore(%run_scoped3A : memref<!tpu.dma_semaphore, #tpu.memory_space<semaphore_mem>>) src(%dma_wait3A_343 : memref<640x128xf32, #tpu.memory_space<vmem_shared>>) dst(%dma_wait3A_341 : memref<640x128xf32, #tpu.memory_space<hbm>>)
      tpu.yield
    }) : () -> ()
    return
  }
}

module attributes {stable_mosaic.version = 14 : i64} {
  func.func @_scale_body(%arg0: i32, %arg1: memref<2000x128xf32, #tpu.memory_space<vmem>>, %arg2: memref<2000x1xf32, #tpu.memory_space<vmem>>, %arg3: memref<2000x128xf32, #tpu.memory_space<vmem>>, %arg4: memref<2000x1xf32, #tpu.memory_space<vmem>>) attributes {dimension_semantics = [#tpu.dimension_semantics<arbitrary>], iteration_bounds = array<i64: 5>, scalar_prefetch = 0 : i64, scratch_operands = 0 : i64, tpu.core_type = #tpu.core_type<tc>, window_params = [{transform_indices = @transform_0, window_bounds = array<i64: 2000, 128>}, {transform_indices = @transform_1, window_bounds = array<i64: 2000, 1>}, {transform_indices = @transform_2, window_bounds = array<i64: 2000, 128>}, {transform_indices = @transform_3, window_bounds = array<i64: 2000, 1>}]} {
    %get3A = arith.constant 0 : index
    %get3A_0 = arith.constant 0 : index
    %get3A_1 = vector.load %arg2[%get3A, %get3A_0] : memref<2000x1xf32, #tpu.memory_space<vmem>>, vector<2000x1xf32>
    %add3A = arith.constant 1.000000e+00 : f32
    %add3A_2 = vector.broadcast %add3A : f32 to vector<2000x1xf32>
    %add3A_3 = arith.addf %get3A_1, %add3A_2 : vector<2000x1xf32>
    %rsqrt3A = math.rsqrt %add3A_3 : vector<2000x1xf32>
    %get3A_4 = arith.constant 0 : index
    %get3A_5 = arith.constant 0 : index
    %get3A_6 = vector.load %arg1[%get3A_4, %get3A_5] : memref<2000x128xf32, #tpu.memory_space<vmem>>, vector<2000x128xf32>
    %mul3A = vector.broadcast %rsqrt3A : vector<2000x1xf32> to vector<2000x128xf32>
    %mul3A_7 = arith.mulf %get3A_6, %mul3A : vector<2000x128xf32>
    %swap3A = arith.constant 0 : index
    %swap3A_8 = arith.constant 0 : index
    %swap3A_9 = vector.load %arg3[%swap3A, %swap3A_8] : memref<2000x128xf32, #tpu.memory_space<vmem>>, vector<2000x128xf32>
    tpu.vector_store %arg3[%swap3A, %swap3A_8], %mul3A_7 {strides = array<i32>} : memref<2000x128xf32, #tpu.memory_space<vmem>>, vector<2000x128xf32>,
    %swap3A_10 = arith.constant 0 : index
    %swap3A_11 = arith.constant 0 : index
    %swap3A_12 = vector.load %arg4[%swap3A_10, %swap3A_11] : memref<2000x1xf32, #tpu.memory_space<vmem>>, vector<2000x1xf32>
    tpu.vector_store %arg4[%swap3A_10, %swap3A_11], %rsqrt3A {strides = array<i32>} : memref<2000x1xf32, #tpu.memory_space<vmem>>, vector<2000x1xf32>,
    return
  }
  func.func @transform_0(%arg0: i32) -> (i32, i32) {
    %c0_i32 = arith.constant 0 : i32
    %c0_i32_0 = arith.constant 0 : i32
    return %arg0, %c0_i32 : i32, i32
  }
  func.func @transform_1(%arg0: i32) -> (i32, i32) {
    %c0_i32 = arith.constant 0 : i32
    %c0_i32_0 = arith.constant 0 : i32
    return %arg0, %c0_i32 : i32, i32
  }
  func.func @transform_2(%arg0: i32) -> (i32, i32) {
    %c0_i32 = arith.constant 0 : i32
    %c0_i32_0 = arith.constant 0 : i32
    return %arg0, %c0_i32 : i32, i32
  }
  func.func @transform_3(%arg0: i32) -> (i32, i32) {
    %c0_i32 = arith.constant 0 : i32
    %c0_i32_0 = arith.constant 0 : i32
    return %arg0, %c0_i32 : i32, i32
  }
}

module attributes {stable_mosaic.version = 14 : i64} {
  func.func @_post_body(%arg0: i32, %arg1: memref<2x1000x128xf32, #tpu.memory_space<vmem>>, %arg2: memref<1000x128xf32, #tpu.memory_space<vmem>>, %arg3: memref<1000x1xf32, #tpu.memory_space<vmem>>, %arg4: memref<1000x128xf32, #tpu.memory_space<vmem>>, %arg5: memref<128x256xf32, #tpu.memory_space<vmem>>, %arg6: memref<1x256xf32, #tpu.memory_space<vmem>>, %arg7: memref<1x256xf32, #tpu.memory_space<vmem>>, %arg8: memref<1x256xf32, #tpu.memory_space<vmem>>, %arg9: memref<384x1xf32, #tpu.memory_space<vmem>>, %arg10: memref<1x1xf32, #tpu.memory_space<vmem>>, %arg11: memref<384x64xf32, #tpu.memory_space<vmem>>, %arg12: memref<1x64xf32, #tpu.memory_space<vmem>>, %arg13: memref<1000x64xf32, #tpu.memory_space<vmem>>) attributes {dimension_semantics = [#tpu.dimension_semantics<arbitrary>], iteration_bounds = array<i64: 10>, scalar_prefetch = 0 : i64, scratch_operands = 0 : i64, tpu.core_type = #tpu.core_type<tc>, window_params = [{transform_indices = @transform_0, window_bounds = array<i64: 2, 1000, 128>}, {transform_indices = @transform_1, window_bounds = array<i64: 1000, 128>}, {transform_indices = @transform_2, window_bounds = array<i64: 1000, 1>}, {transform_indices = @transform_3, window_bounds = array<i64: 1000, 128>}, {pipeline_mode = #tpu.pipeline_mode<synchronous>, transform_indices = @transform_4, window_bounds = array<i64: 128, 256>}, {pipeline_mode = #tpu.pipeline_mode<synchronous>, transform_indices = @transform_5, window_bounds = array<i64: 1, 256>}, {pipeline_mode = #tpu.pipeline_mode<synchronous>, transform_indices = @transform_6, window_bounds = array<i64: 1, 256>}, {pipeline_mode = #tpu.pipeline_mode<synchronous>, transform_indices = @transform_7, window_bounds = array<i64: 1, 256>}, {pipeline_mode = #tpu.pipeline_mode<synchronous>, transform_indices = @transform_8, window_bounds = array<i64: 384, 1>}, {pipeline_mode = #tpu.pipeline_mode<synchronous>, transform_indices = @transform_9, window_bounds = array<i64: 1, 1>}, {pipeline_mode = #tpu.pipeline_mode<synchronous>, transform_indices = @transform_10, window_bounds = array<i64: 384, 64>}, {pipeline_mode = #tpu.pipeline_mode<synchronous>, transform_indices = @transform_11, window_bounds = array<i64: 1, 64>}, {transform_indices = @transform_12, window_bounds = array<i64: 1000, 64>}]} {
    %get3A = arith.constant 0 : index
    %get3A_0 = arith.constant 0 : index
    %get3A_1 = arith.constant 0 : index
    %get3A_2 = vector.load %arg1[%get3A, %get3A_0, %get3A_1] : memref<2x1000x128xf32, #tpu.memory_space<vmem>>, vector<2x1000x128xf32>
    %slice3A = vector.extract_strided_slice %get3A_2 {offsets = [0, 0, 0], sizes = [1, 1000, 128], strides = [1, 1, 1]} : vector<2x1000x128xf32> to vector<1x1000x128xf32>
    %squeeze3A = vector.shape_cast %slice3A : vector<1x1000x128xf32> to vector<1000x128xf32>
    %slice3A_3 = vector.extract_strided_slice %get3A_2 {offsets = [1, 0, 0], sizes = [1, 1000, 128], strides = [1, 1, 1]} : vector<2x1000x128xf32> to vector<1x1000x128xf32>
    %squeeze3A_4 = vector.shape_cast %slice3A_3 : vector<1x1000x128xf32> to vector<1000x128xf32>
    %add3A = arith.addf %squeeze3A, %squeeze3A_4 : vector<1000x128xf32>
    %get3A_5 = arith.constant 0 : index
    %get3A_6 = arith.constant 0 : index
    %get3A_7 = vector.load %arg2[%get3A_5, %get3A_6] : memref<1000x128xf32, #tpu.memory_space<vmem>>, vector<1000x128xf32>
    %add3A_8 = arith.addf %add3A, %get3A_7 : vector<1000x128xf32>
    %get3A_9 = arith.constant 0 : index
    %get3A_10 = arith.constant 0 : index
    %get3A_11 = vector.load %arg3[%get3A_9, %get3A_10] : memref<1000x1xf32, #tpu.memory_space<vmem>>, vector<1000x1xf32>
    %mul3A = vector.broadcast %get3A_11 : vector<1000x1xf32> to vector<1000x128xf32>
    %mul3A_12 = arith.mulf %add3A_8, %mul3A : vector<1000x128xf32>
    %get3A_13 = arith.constant 0 : index
    %get3A_14 = arith.constant 0 : index
    %get3A_15 = vector.load %arg5[%get3A_13, %get3A_14] : memref<128x256xf32, #tpu.memory_space<vmem>>, vector<128x256xf32>
    %dot_general3A = arith.constant dense<0.000000e+00> : vector<1000x256xf32>
    %dot_general3A_16 = tpu.matmul %mul3A_12, %get3A_15, %dot_general3A {dimension_numbers = #tpu.dot_dimension_numbers<[1], [0], [0], [1], [0, 0, 1, 1], [], []>, transpose_lhs_hint = false} : vector<1000x128xf32>, vector<128x256xf32>, vector<1000x256xf32> -> vector<1000x256xf32>
    %get3A_17 = arith.constant 0 : index
    %get3A_18 = arith.constant 0 : index
    %get3A_19 = vector.load %arg6[%get3A_17, %get3A_18] : memref<1x256xf32, #tpu.memory_space<vmem>>, vector<1x256xf32>
    %add3A_20 = vector.broadcast %get3A_19 : vector<1x256xf32> to vector<1000x256xf32>
    %add3A_21 = arith.addf %dot_general3A_16, %add3A_20 : vector<1000x256xf32>
    %reduce_sum3A = arith.constant dense<0.000000e+00> : vector<1000xf32>
    %reduce_sum3A_22 = vector.multi_reduction <add>, %add3A_21, %reduce_sum3A [1] : vector<1000x256xf32> to vector<1000xf32>
    %broadcast_in_dim3A = vector.shape_cast %reduce_sum3A_22 : vector<1000xf32> to vector<1000x1xf32>
    %div3A = arith.constant 2.560000e+02 : f32
    %div3A_23 = vector.broadcast %div3A : f32 to vector<1000x1xf32>
    %div3A_24 = arith.divf %broadcast_in_dim3A, %div3A_23 : vector<1000x1xf32>
    %sub3A = vector.broadcast %div3A_24 : vector<1000x1xf32> to vector<1000x256xf32>
    %sub3A_25 = arith.subf %add3A_21, %sub3A : vector<1000x256xf32>
    %mul3A_26 = arith.mulf %sub3A_25, %sub3A_25 : vector<1000x256xf32>
    %reduce_sum3A_27 = arith.constant dense<0.000000e+00> : vector<1000xf32>
    %reduce_sum3A_28 = vector.multi_reduction <add>, %mul3A_26, %reduce_sum3A_27 [1] : vector<1000x256xf32> to vector<1000xf32>
    %broadcast_in_dim3A_29 = vector.shape_cast %reduce_sum3A_28 : vector<1000xf32> to vector<1000x1xf32>
    %div3A_30 = arith.constant 2.560000e+02 : f32
    %div3A_31 = vector.broadcast %div3A_30 : f32 to vector<1000x1xf32>
    %div3A_32 = arith.divf %broadcast_in_dim3A_29, %div3A_31 : vector<1000x1xf32>
    %add3A_33 = arith.constant 9.99999974E-6 : f32
    %add3A_34 = vector.broadcast %add3A_33 : f32 to vector<1000x1xf32>
    %add3A_35 = arith.addf %div3A_32, %add3A_34 : vector<1000x1xf32>
    %rsqrt3A = math.rsqrt %add3A_35 : vector<1000x1xf32>
    %mul3A_36 = vector.broadcast %rsqrt3A : vector<1000x1xf32> to vector<1000x256xf32>
    %mul3A_37 = arith.mulf %sub3A_25, %mul3A_36 : vector<1000x256xf32>
    %get3A_38 = arith.constant 0 : index
    %get3A_39 = arith.constant 0 : index
    %get3A_40 = vector.load %arg7[%get3A_38, %get3A_39] : memref<1x256xf32, #tpu.memory_space<vmem>>, vector<1x256xf32>
    %mul3A_41 = vector.broadcast %get3A_40 : vector<1x256xf32> to vector<1000x256xf32>
    %mul3A_42 = arith.mulf %mul3A_37, %mul3A_41 : vector<1000x256xf32>
    %get3A_43 = arith.constant 0 : index
    %get3A_44 = arith.constant 0 : index
    %get3A_45 = vector.load %arg8[%get3A_43, %get3A_44] : memref<1x256xf32, #tpu.memory_space<vmem>>, vector<1x256xf32>
    %add3A_46 = vector.broadcast %get3A_45 : vector<1x256xf32> to vector<1000x256xf32>
    %add3A_47 = arith.addf %mul3A_42, %add3A_46 : vector<1000x256xf32>
    %max3A = arith.constant 0.000000e+00 : f32
    %max3A_48 = vector.broadcast %max3A : f32 to vector<1000x256xf32>
    %max3A_49 = arith.maximumf %add3A_47, %max3A_48 : vector<1000x256xf32>
    %get3A_50 = arith.constant 0 : index
    %get3A_51 = arith.constant 0 : index
    %get3A_52 = vector.load %arg4[%get3A_50, %get3A_51] : memref<1000x128xf32, #tpu.memory_space<vmem>>, vector<1000x128xf32>
    %concatenate3A = tpu.concatenate %max3A_49, %get3A_52 in 1 : vector<1000x256xf32>, vector<1000x128xf32> -> vector<1000x384xf32>
    %get3A_53 = arith.constant 0 : index
    %get3A_54 = arith.constant 0 : index
    %get3A_55 = vector.load %arg9[%get3A_53, %get3A_54] : memref<384x1xf32, #tpu.memory_space<vmem>>, vector<384x1xf32>
    %dot_general3A_56 = arith.constant dense<0.000000e+00> : vector<1000x1xf32>
    %dot_general3A_57 = tpu.matmul %concatenate3A, %get3A_55, %dot_general3A_56 {dimension_numbers = #tpu.dot_dimension_numbers<[1], [0], [0], [1], [0, 0, 1, 1], [], []>, transpose_lhs_hint = false} : vector<1000x384xf32>, vector<384x1xf32>, vector<1000x1xf32> -> vector<1000x1xf32>
    %get3A_58 = arith.constant 0 : index
    %get3A_59 = arith.constant 0 : index
    %get3A_60 = vector.load %arg10[%get3A_58, %get3A_59] : memref<1x1xf32, #tpu.memory_space<vmem>>, vector<1x1xf32>
    %add3A_61 = vector.broadcast %get3A_60 : vector<1x1xf32> to vector<1000x1xf32>
    %add3A_62 = arith.addf %dot_general3A_57, %add3A_61 : vector<1000x1xf32>
    %logistic3A = arith.negf %add3A_62 : vector<1000x1xf32>
    %logistic3A_63 = math.exp %logistic3A : vector<1000x1xf32>
    %logistic3A_64 = arith.constant 1.000000e+00 : f32
    %logistic3A_65 = vector.broadcast %logistic3A_64 : f32 to vector<1000x1xf32>
    %logistic3A_66 = arith.addf %logistic3A_65, %logistic3A_63 : vector<1000x1xf32>
    %logistic3A_67 = arith.divf %logistic3A_65, %logistic3A_66 : vector<1000x1xf32>
    %mul3A_68 = vector.broadcast %logistic3A_67 : vector<1000x1xf32> to vector<1000x384xf32>
    %mul3A_69 = arith.mulf %concatenate3A, %mul3A_68 : vector<1000x384xf32>
    %get3A_70 = arith.constant 0 : index
    %get3A_71 = arith.constant 0 : index
    %get3A_72 = vector.load %arg11[%get3A_70, %get3A_71] : memref<384x64xf32, #tpu.memory_space<vmem>>, vector<384x64xf32>
    %dot_general3A_73 = arith.constant dense<0.000000e+00> : vector<1000x64xf32>
    %dot_general3A_74 = tpu.matmul %mul3A_69, %get3A_72, %dot_general3A_73 {dimension_numbers = #tpu.dot_dimension_numbers<[1], [0], [0], [1], [0, 0, 1, 1], [], []>, transpose_lhs_hint = false} : vector<1000x384xf32>, vector<384x64xf32>, vector<1000x64xf32> -> vector<1000x64xf32>
    %get3A_75 = arith.constant 0 : index
    %get3A_76 = arith.constant 0 : index
    %get3A_77 = vector.load %arg12[%get3A_75, %get3A_76] : memref<1x64xf32, #tpu.memory_space<vmem>>, vector<1x64xf32>
    %add3A_78 = vector.broadcast %get3A_77 : vector<1x64xf32> to vector<1000x64xf32>
    %add3A_79 = arith.addf %dot_general3A_74, %add3A_78 : vector<1000x64xf32>
    %swap3A = arith.constant 0 : index
    %swap3A_80 = arith.constant 0 : index
    %swap3A_81 = vector.load %arg13[%swap3A, %swap3A_80] : memref<1000x64xf32, #tpu.memory_space<vmem>>, vector<1000x64xf32>
    tpu.vector_store %arg13[%swap3A, %swap3A_80], %add3A_79 {strides = array<i32>} : memref<1000x64xf32, #tpu.memory_space<vmem>>, vector<1000x64xf32>,
    return
  }
  func.func @transform_0(%arg0: i32) -> (i32, i32, i32) {
    %c0_i32 = arith.constant 0 : i32
    %c0_i32_0 = arith.constant 0 : i32
    %c0_i32_1 = arith.constant 0 : i32
    return %c0_i32, %arg0, %c0_i32_0 : i32, i32, i32
  }
  func.func @transform_1(%arg0: i32) -> (i32, i32) {
    %c0_i32 = arith.constant 0 : i32
    %c0_i32_0 = arith.constant 0 : i32
    return %arg0, %c0_i32 : i32, i32
  }
  func.func @transform_2(%arg0: i32) -> (i32, i32) {
    %c0_i32 = arith.constant 0 : i32
    %c0_i32_0 = arith.constant 0 : i32
    return %arg0, %c0_i32 : i32, i32
  }
  func.func @transform_3(%arg0: i32) -> (i32, i32) {
    %c0_i32 = arith.constant 0 : i32
    %c0_i32_0 = arith.constant 0 : i32
    return %arg0, %c0_i32 : i32, i32
  }
  func.func @transform_4(%arg0: i32) -> (i32, i32) {
    %c0_i32 = arith.constant 0 : i32
    %c0_i32_0 = arith.constant 0 : i32
    %c0_i32_1 = arith.constant 0 : i32
    return %c0_i32, %c0_i32_0 : i32, i32
  }
  func.func @transform_5(%arg0: i32) -> (i32, i32) {
    %c0_i32 = arith.constant 0 : i32
    %c0_i32_0 = arith.constant 0 : i32
    %c0_i32_1 = arith.constant 0 : i32
    return %c0_i32, %c0_i32_0 : i32, i32
  }
  func.func @transform_6(%arg0: i32) -> (i32, i32) {
    %c0_i32 = arith.constant 0 : i32
    %c0_i32_0 = arith.constant 0 : i32
    %c0_i32_1 = arith.constant 0 : i32
    return %c0_i32, %c0_i32_0 : i32, i32
  }
  func.func @transform_7(%arg0: i32) -> (i32, i32) {
    %c0_i32 = arith.constant 0 : i32
    %c0_i32_0 = arith.constant 0 : i32
    %c0_i32_1 = arith.constant 0 : i32
    return %c0_i32, %c0_i32_0 : i32, i32
  }
  func.func @transform_8(%arg0: i32) -> (i32, i32) {
    %c0_i32 = arith.constant 0 : i32
    %c0_i32_0 = arith.constant 0 : i32
    %c0_i32_1 = arith.constant 0 : i32
    return %c0_i32, %c0_i32_0 : i32, i32
  }
  func.func @transform_9(%arg0: i32) -> (i32, i32) {
    %c0_i32 = arith.constant 0 : i32
    %c0_i32_0 = arith.constant 0 : i32
    %c0_i32_1 = arith.constant 0 : i32
    return %c0_i32, %c0_i32_0 : i32, i32
  }
  func.func @transform_10(%arg0: i32) -> (i32, i32) {
    %c0_i32 = arith.constant 0 : i32
    %c0_i32_0 = arith.constant 0 : i32
    %c0_i32_1 = arith.constant 0 : i32
    return %c0_i32, %c0_i32_0 : i32, i32
  }
  func.func @transform_11(%arg0: i32) -> (i32, i32) {
    %c0_i32 = arith.constant 0 : i32
    %c0_i32_0 = arith.constant 0 : i32
    %c0_i32_1 = arith.constant 0 : i32
    return %c0_i32, %c0_i32_0 : i32, i32
  }
  func.func @transform_12(%arg0: i32) -> (i32, i32) {
    %c0_i32 = arith.constant 0 : i32
    %c0_i32_0 = arith.constant 0 : i32
    return %arg0, %c0_i32 : i32, i32
  }
}

</mosaic_0001>

<sc_bundles>
// kernel: kernel.6.cloned.1.call-start
scs
__scs_entry_jumppad:
0x0: {  	(pc) =	sbr.rel $0x88, $3  }
0x1: {  	(tag) =	ssettag $0x0;
	lr =	simm.s32 $0x1  }
0x2: {  	[smem:$0x3F97] =	sst lr;
	_ =	strace $0xD0000000  }
0x3: {  	_ = 	snop  }
0x4: {  	_ = 	snop  }
0x5: {  	_ = 	snop  }
0x6: {  	_ = 	snop  }
0x7: {  	_ = 	snop  }
__scs_overlays_trampoline_lowered:
0x8: {  	[smem:$0x3FA6] =	sst s0  }
0x9: {  	[smem:$0x3FA7] =	sst s1  }
0xa: {  	[smem:$0x3FA8] =	sst s2  }
0xb: {  	[smem:$0x3FA9] =	sst s3  }
0xc: {  	[smem:$0x3FAA] =	sst s4  }
0xd: {  	[smem:$0x3FAB] =	sst s5  }
0xe: {  	[smem:$0x3FAC] =	sst s6  }
0xf: {  	[smem:$0x3FAD] =	sst s7  }
0x10: {  	[smem:$0x3FAE] =	sst s8  }
0x11: {  	[smem:$0x3FAF] =	sst s9;
	s0 =	simm.s32 @!p0 $0x0  }
0x12: {  	s1 =	sld [smem:$0x3F95];
	s0 =	simm.s32 @p0 $0x1  }
0x13: {  	[smem:$0x3FB0] =	sst s0;
	s0 =	simm.s32 @!p1 $0x0  }
0x14: {  	s2 =	sld [smem:$0x3F94];
	s0 =	simm.s32 @p1 $0x1  }
0x15: {  	[smem:$0x3FB1] =	sst s0;
	s0 =	simm.s32 @!p2 $0x0  }
0x16: {  	s3 =	sld [smem:$0x3FDB];
	s0 =	simm.s32 @p2 $0x1  }
0x17: {  	s4 =	simm.s32 $0x1BF5;
	[smem:$0x3FB3] =	sst s0  }
0x18: {  	s0 =	sld [smem:$0x3F96];
	_ =	swait.ge [sflag:s4], $0x0  }
0x19: {  	s7 =	sld [smem:$0x3F97]  }
0x1a: {  	s8 =	sadd.s32 $0xFFFFE003, lr  }
0x1b: {  	s9 =	sadd.s32 $0xFFFFFEF7, lr;
	s5 =	simm.s32 $0xFFFFFFFF;
	p2 =	slt.u32 s8, $0xFFFFF086  }
0x1c: {  	p1 =	slt.u32 s9, $0xF7A;
	s5 =	simm.s32 @!p2 $0x0  }
0x1d: {  	s5 =	simm.s32 @p1 $0x1;
	p0 =	seq.s32 s7, s2  }
0x1e: {  	s7 =	smul.u32 @!p0 $0xF7A, s2;
	p2 =	seq.s32 @!p0 s5, $0x0  }
0x1f: {  	s9 =	smul.u32 $0xF7A, s1;
	s8 =	simm.s32 @!p0 $0x1BF5;
	p2 =	por !p2, p0  }
0x20: {  	[sflag:s8] =	ssyncset.s32 @!p0 $0xFFFFF086;
	s6 =	sadd.s32 @!p0 s3, s7;
	s7 =	simm.s32 @!p0 $0x108  }
0x21: {  	s3 =	sadd.s32 s3, s9;
	s6 =	sadd.s32 @!p0 $0x88, s6;
	s7 =	simm.s32 @p2 $0x1082  }
0x22: {  	[simem:s7], [sflag:s8] =	dma.local @!p0 [hbm:s6], $0xF7A  }
0x23: {  	s9 =	sor.u32 $0xD0000000, s2;
	s6 =	simm.s32 $0x108;
	_ =	swait.ge @!p0 [sflag:s8], $0x0  }
0x24: {  	s3 =	sadd.s32 $0x88, s3;
	s6 =	simm.s32 @!p1 $0x1082;
	[sflag:s4] =	ssyncset.s32 $0xFFFFF086  }
0x25: {  	[simem:s6], [sflag:s4] =	dma.local [hbm:s3], $0xF7A  }
0x26: {  	[smem:$0x3F97] =	sst s1;
	(tag) =	ssettag s2;
	_ =	strace s9  }
0x27: {  	s1 =	sld [smem:$0x3FA7]  }
0x28: {  	s2 =	sld [smem:$0x3FA8]  }
0x29: {  	s4 =	sld [smem:$0x3FAA]  }
0x2a: {  	p0 =	seq.s32 s5, $0x0;
	s5 =	sld [smem:$0x3FAB]  }
0x2b: {  	s6 =	sld [smem:$0x3FAC]  }
0x2c: {  	s7 =	sld [smem:$0x3FAD]  }
0x2d: {  	s3 =	simm.s32 $0x108;
	s8 =	sld [smem:$0x3FAE]  }
0x2e: {  	s3 =	simm.s32 @!p0 $0x1082;
	s9 =	sld [smem:$0x3FAF]  }
0x2f: {  	lr =	sadd.s32 s0, s3;
	s0 =	sld [smem:$0x3FA6]  }
0x30: {  	s3 =	sld [smem:$0x3FA9]  }
0x31: {  	[smem:$0x3FB2] =	sst s10  }
0x32: {  	s10 =	sld [smem:$0x3FB0];
	_ =	sdelay $0x3  }
0x33: {  	p0 =	seq.s32 s10, $0x1;
	s10 =	sld [smem:$0x3FB2];
	_ =	sdelay $0x3  }
0x34: {  	[smem:$0x3FB2] =	sst s10  }
0x35: {  	s10 =	sld [smem:$0x3FB1];
	_ =	sdelay $0x3  }
0x36: {  	p1 =	seq.s32 s10, $0x1;
	s10 =	sld [smem:$0x3FB2];
	_ =	sdelay $0x3  }
0x37: {  	[smem:$0x3FB2] =	sst s10  }
0x38: {  	s10 =	sld [smem:$0x3FB3]  }
0x39: {  	_ = 	snop;
	(pc) =	sbr.ind lr, $3  }
0x3a: {  	_ = 	snop  }
0x3b: {  	_ = 	snop  }
0x3c: {  	p2 =	seq.s32 s10, $0x1;
	s10 =	sld [smem:$0x3FB2]  }
0x3d: {  	_ =	shalt  }
0x3e: {  	_ =	shalt  }
0x3f: {  	_ =	shalt  }
0x40: {  	_ =	shalt  }
0x41: {  	_ =	shalt  }
0x42: {  	_ =	shalt  }
0x43: {  	_ =	shalt  }
0x44: {  	_ =	shalt  }
0x45: {  	_ =	shalt  }
0x46: {  	_ =	shalt  }
0x47: {  	_ =	shalt  }
0x48: {  	_ =	shalt  }
0x49: {  	_ =	shalt  }
0x4a: {  	_ =	shalt  }
0x4b: {  	_ =	shalt  }
0x4c: {  	_ =	shalt  }
0x4d: {  	_ =	shalt  }
0x4e: {  	_ =	shalt  }
0x4f: {  	_ =	shalt  }
0x50: {  	_ =	shalt  }
0x51: {  	_ =	shalt  }
0x52: {  	_ =	shalt  }
0x53: {  	_ =	shalt  }
0x54: {  	_ =	shalt  }
0x55: {  	_ =	shalt  }
0x56: {  	_ =	shalt  }
0x57: {  	_ =	shalt  }
0x58: {  	_ =	shalt  }
0x59: {  	_ =	shalt  }
0x5a: {  	_ =	shalt  }
0x5b: {  	_ =	shalt  }
0x5c: {  	_ =	shalt  }
0x5d: {  	_ =	shalt  }
0x5e: {  	_ =	shalt  }
0x5f: {  	_ =	shalt  }
0x60: {  	_ =	shalt  }
0x61: {  	_ =	shalt  }
0x62: {  	_ =	shalt  }
0x63: {  	_ =	shalt  }
0x64: {  	_ =	shalt  }
0x65: {  	_ =	shalt  }
0x66: {  	_ =	shalt  }
0x67: {  	_ =	shalt  }
0x68: {  	_ =	shalt  }
0x69: {  	_ =	shalt  }
0x6a: {  	_ =	shalt  }
0x6b: {  	_ =	shalt  }
0x6c: {  	_ =	shalt  }
0x6d: {  	_ =	shalt  }
0x6e: {  	_ =	shalt  }
0x6f: {  	_ =	shalt  }
0x70: {  	_ =	shalt  }
0x71: {  	_ =	shalt  }
0x72: {  	_ =	shalt  }
0x73: {  	_ =	shalt  }
0x74: {  	_ =	shalt  }
0x75: {  	_ =	shalt  }
0x76: {  	_ =	shalt  }
0x77: {  	_ =	shalt  }
0x78: {  	_ =	shalt  }
0x79: {  	_ =	shalt  }
0x7a: {  	_ =	shalt  }
0x7b: {  	_ =	shalt  }
0x7c: {  	_ =	shalt  }
0x7d: {  	_ =	shalt  }
0x7e: {  	_ =	shalt  }
0x7f: {  	_ =	shalt  }
0x80: {  	_ =	shalt  }
0x81: {  	_ =	shalt  }
0x82: {  	_ =	shalt  }
0x83: {  	_ =	shalt  }
0x84: {  	_ =	shalt  }
0x85: {  	_ =	shalt  }
0x86: {  	_ =	shalt  }
0x87: {  	_ =	shalt  }
.Lfunc_end0:
.L_simem_size_0:
called_computation_lowered:
.L_overlay_start_0:
0x88: {  	s2 =	sld [smem:$0x3FD9]  }
0x89: {  	s3 =	sld [smem:$0x3FFE];
	_ =	sdelay $0x1  }
0x8a: {  	s1 =	srdreg.scid  }
0x8b: {  	s0 =	sand.u32 $0x1, s1  }
0x8c: {  	s17 =	sshll.u32 s0, $0xA;
	s2 =	sadd.s32 s3, s2  }
0x8d: {  	s2 =	sadd.s32 s2, s17  }
0x8e: {  	[smem:$0x3FBE] =	sst s2  }
0x8f: {  	_ = 	snop  }
0x90: {  	s2 =	sld [smem:$0x3FD0];
	(tm) =	ssettm $0x1  }
0x91: {  	s18 =	sld [smem:$0x3FFB];
	_ =	sdelay $0x3  }
0x92: {  	_ =	strace s18  }
0x93: {  	s3 =	sld [smem:$0x3FFC];
	_ =	sdelay $0x3  }
0x94: {  	_ =	strace s3  }
0x95: {  	s3 =	sld [smem:$0x3FFD];
	_ =	sdelay $0x3  }
0x96: {  	_ =	strace s3  }
0x97: {  	_ =	strace $0x8FFFFFFF  }
0x98: {  	s19 =	sld [smem:$0x3FDB];
	_ =	sdelay $0x1  }
0x99: {  	s4 =	simm.s32 $_scs_section_size  }
0x9a: {  	s5 =	simm.s32 $_size__tile_overlayer_lowered;
	s6 =	simm.s32 $_tile_overlayer_lowered  }
0x9b: {  	s22 =	simm.s32 $0x1BFF;
	s21 =	sshll.u32 s6, $0x1;
	s3 =	sadd.s32 s4, s19  }
0x9c: {  	s7 =	simm.s32 $0x0;
	s20 =	sshll.u32 s5, $0x1;
	s5 =	sadd.s32 s21, s3  }
0x9d: {  	[timem:s7], [sflag:s22] =	dma.local [hbm:s5], s20  }
0x9e: {  	_ =	swait.ge [sflag:s22], s20  }
0x9f: {  	s4 =	ssub.s32 $0x0, s20;
	[sflag:s22] =	ssyncset.done $0x0  }
0xa0: {  	[sflag:s22] =	ssyncadd.s32 s4;
	_ =	sdelay $0x1  }
0xa1: {  	s23 =	simm.s32 $0x1B8B  }
0xa2: {  	_ =	swait.ge [sflag:s23], $0x1  }
0xa3: {  	[sflag:s23] =	ssyncset.done $0x0  }
0xa4: {  	s25 =	simm.s32 $0x1B8E;
	s24 =	sld [smem:$0x3FFE];
	[sflag:s23] =	ssyncadd.s32 $0xFFFFFFFF  }
0xa5: {  	s26 =	simm.s32 $execute0_lowered;
	[smem:$0x3FD2] =	sst s25  }
0xa6: {  	s5 =	sshll.u32 s26, $0x1;
	_ =	strace $0x80000046;
	[dreg:$0x1] =	wrdreg $0xFFFFFFFF  }
0xa7: {  	s28 =	simm.s32 $_size_execute0_lowered;
	s3 =	sadd.s32 s3, s5;
	[dreg:$0x0] =	wrdreg $0x0  }
0xa8: {  	s5 =	sshll.u32 s28, $0x1;
	[dreg:$0x2] =	wrdreg s3  }
0xa9: {  	[dreg:$0x3] =	wrdreg s5  }
0xaa: {  	[dreg:$0x4] =	wrdreg $0xC0  }
0xab: {  	_ =	task [dreg:s7], $0x5FFFF  }
0xac: {  	[dreg:$0x1] =	wrdreg $0xFFFFFFFF  }
0xad: {  	[dreg:$0x0] =	wrdreg $0x60  }
0xae: {  	[dreg:$0x2] =	wrdreg s24  }
0xaf: {  	[dreg:$0x3] =	wrdreg s2  }
0xb0: {  	[dreg:$0x4] =	wrdreg $0x68800  }
0xb1: {  	[dreg:$0x5] =	wrdreg $0x9  }
0xb2: {  	_ =	task.clear_ibuf [dreg:s7], $0x6FFFF;
	_ =	strace $0x90000046  }
0xb3: {  	s29 =	simm.s32 $0x9;
	_ =	strace $0x80000048  }
0xb4: {  	_ =	swait.ge [sflag:s29], $0x1  }
0xb5: {  	[sflag:s29] =	ssyncadd.s32 $0xFFFFFFFF  }
0xb6: {  	_ =	strace $0x90000048  }
0xb7: {  	_ =	sfence  }
0xb8: {  	s30 =	sld [smem:$0x0];
	_ =	sdelay $0x2  }
0xb9: {  	s31 =	sshll.u32 s1, $0xD;
	s1 =	sshrl.u32 s1, $0x2  }
0xba: {  	s3 =	sand.u32 $0x4000, s31;
	s1 =	sadd.s32 s1, s30  }
0xbb: {  	s0 =	sor.u32 s3, s0;
	s1 =	sshll.u32 s1, $0x11  }
0xbc: {  	s0 =	sor.u32 s1, s0  }
0xbd: {  	s0 =	sadd.s32 $0x8F2B, s0  }
0xbe: {  	[sflag:s0] =	ssyncadd.remote.s32 $0x1  }
0xbf: {  	_ =	sfence.sel $0xFFFF  }
0xc0: {  	[dreg:$0x0] =	wrdreg $0xFFFFFFFF;
	(pc) =	sbr.abs _section_cstart, $3  }
0xc1: {  	[dreg:$0x1] =	wrdreg $0xFFFFFFFF  }
0xc2: {  	_ =	task.clear_ibuf [dreg:s7], $0x2FFFF;
	_ =	strace $0x9FFFFFFF  }
0xc3: {  	(tm) =	ssettm $0x7FFFFFFF  }
tec
execute0_lowered:
.L_overlay_start_1:
0x0: {  	(tag) =	ssettag $0x1  }
0x1: {  	s5 =	rddreg [dreg:$0x0]  }
0x2: {  	s7 =	rddreg [dreg:$0x1]  }
0x3: {  	s0 =	srdreg.scid;
	s2 =	rddreg [dreg:$0x2]  }
0x4: {  	s1 =	stileid.u32;
	s3 =	simm.s32 $0x0;
	s14 =	simm.s32 $0x6800  }
0x5: {  	s15 =	simm.s32 $0x80;
	s8 =	sand.u32 $0x1, s0;
	s0 =	rddreg [dreg:$0x3]  }
0x6: {  	s16 =	simm.s32 $0x100;
	s17 =	simm.s32 $0x0;
	[smem:$0x7FF] =	sst s3  }
0x7: {  	s11 =	sshll.u32 s1, $0xA;
	s31 =	sshll.u32 s1, $0x7;
	s12 =	sshll.u32 s1, $0x6  }
0x8: {  	s4 =	sshll.u32 s8, $0x4;
	_ =	strace $0x80000047;
	s6 =	ssub.s32 $0x2, s8  }
0x9: {  	s13 =	sadd.s32 s11, s2;
	s8 =	sshll.u32 s8, $0xB;
	s4 =	sor.u32 s1, s4  }
0xa: {  	s11 =	sadd.s32 s7, s31;
	s12 =	sor.u32 $0x1C01, s12;
	s4 =	smul.u32 $0xA00, s4  }
0xb: {  	s10 =	sshrl.u32 s6, $0x1;
	s8 =	sadd.s32 s8, s11;
	s11 =	simm.s32 $0x1  }
0xc: {  	s13 =	sshrl.u32 s13, $0x3;
	s9 =	sadd.s32 s4, s5;
	s4 =	sadd.s32 $0x16C00, s5  }
0xd: {  	s10 =	ssub.s32 s6, s10;
	s5 =	sadd.s32 $0x16A00, s5;
	s6 =	sadd.s32 s4, s31  }
0xe: {  	v0 =	vimm.f32 $1.000000000e+00;
	s7 =	sadd.s32 $0x2A10, s9;
	s9 =	smax.u32 s10, $0x1;
	s10 =	simm.s32 $0x2800  }
.LBB2_1:
0xf: {  	[tilespmem:s10], [sflag:$0x1] =	stream.linear.gather [hbm4b:s4+s3], $0x4000, $0x38;
	[tilespmem:$0x6C80] =	vst v63  }
0x10: {  	_ =	swait.ge [sflag:s11], $0x4000  }
0x11: {  	[sflag:s11] =	ssyncset.done $0x0  }
0x12: {  	[sflag:s11] =	ssyncadd.s32 $0xFFFFC000  }
0x13: {  	[spmem:s13], [sflag:s12] =	dma.local [hbm:s6], $0x80  }
0x14: {  	_ =	swait.ge [sflag:s11], $0x80  }
0x15: {  	[sflag:s11] =	ssyncset.done $0x0  }
0x16: {  	[sflag:s11] =	ssyncadd.s32 $0xFFFFFF80  }
0x17: {  	[tilespmem:s14], [sflag:$0x1] =	stream.linear.gather [hbm4b:s5+s3], $0x80, $0x38;
	[tilespmem:$0x6C80] =	vst v63  }
0x18: {  	_ =	swait.ge [sflag:s11], $0x80  }
0x19: {  	[sflag:s11] =	ssyncset.done $0x0  }
0x1a: {  	[sflag:s11] =	ssyncadd.s32 $0xFFFFFF80  }
0x1b: {  	[tilespmem:s3], [sflag:$0x1] =	stream.strided.gather [hbm4b:s7+s15], $0x2800, s16, s15, $0x38;
	[tilespmem:$0x6C80] =	vst v63  }
0x1c: {  	_ =	swait.ge [sflag:s11], $0x2800  }
0x1d: {  	[sflag:s11] =	ssyncset.done $0x0  }
0x1e: {  	s18 =	simm.s32 $0xFFFFFFFB;
	s19 =	simm.s32 $0x20;
	[sflag:s11] =	ssyncadd.s32 $0xFFFFD800  }
.LBB2_2:
0x1f: {  	v1 =	vld [tilespmem:s19+$0xFFFFFFE0];
	_ =	sdelay $0x7  }
0x20: {  	[tilespmem:v1+s10+$0x0] =	vst.idx.add.f32.msk $0xffff, v0  }
0x21: {  	v1 =	vld [tilespmem:s19+$0xFFFFFFF0];
	_ =	sdelay $0x7  }
0x22: {  	[tilespmem:v1+s10+$0x0] =	vst.idx.add.f32.msk $0xffff, v0  }
0x23: {  	v1 =	vld [tilespmem:s19+$0x0];
	_ =	sdelay $0x7  }
0x24: {  	[tilespmem:v1+s10+$0x0] =	vst.idx.add.f32.msk $0xffff, v0  }
0x25: {  	v1 =	vld [tilespmem:s19+$0x10];
	_ =	sdelay $0x7  }
0x26: {  	[tilespmem:v1+s10+$0x0] =	vst.idx.add.f32.msk $0xffff, v0  }
0x27: {  	v1 =	vld [tilespmem:s19+$0x20];
	_ =	sdelay $0x1  }
0x28: {  	s18 =	sadd.s32 $0x5, s18  }
0x29: {  	p0 =	slt.u32 s18, $0x27B  }
.Ltmp0:
0x2a: {  	_ = 	snop;
	(pc) =	sbr.rel @p0 .LBB2_2-.Ltmp0, $2  }
0x2b: {  	_ =	sdelay $0x2  }
0x2c: {  	s19 =	sadd.s32 $0x50, s19;
	[tilespmem:v1+s10+$0x0] =	vst.idx.add.f32.msk $0xffff, v0  }
0x2d: {  	[bflag:$0x0] =	sbarrier.arrive $0xFFFF  }
0x2e: {  	[spmem:s2] =	stream.indirect.scatter.add.f32 [tilespmem:s10], [sflag:$0x1], $0x80, s14, s15, $0xb8;
	[tilespmem:$0x6C80] =	vst v63  }
0x2f: {  	_ =	swait.ge [sflag:s11], $0x4000  }
0x30: {  	s17 =	sadd.s32 $0x1, s17;
	[sflag:s11] =	ssyncset.done $0x0  }
0x31: {  	p0 =	sne.s32 s17, s9;
	[sflag:s11] =	ssyncadd.s32 $0xFFFFC000  }
.Ltmp1:
0x32: {  	[bflag:$0x0] =	sbarrier.arrive $0xFFFF;
	(pc) =	sbr.rel @p0 .LBB2_1-.Ltmp1, $4  }
0x33: {  	[hbm:s8], [sflag:s12] =	dma.local [spmem:s13], $0x80  }
0x34: {  	_ =	swait.ge [sflag:s11], $0x80  }
0x35: {  	[sflag:s11] =	ssyncset.done $0x0  }
0x36: {  	[sflag:s11] =	ssyncadd.s32 $0xFFFFFF80  }
0x37: {  	_ =	sfence.sel $0x180000  }
0x38: {  	[bflag:$0x0] =	sbarrier.arrive $0xFFFF  }
0x39: {  	p0 =	sne.s32 s1, $0x0;
	_ =	strace $0x90000047  }
0x3a: {  	s0 =	sadd.s32 @!p0 $0x100000, s0;
	[bflag:$0x2] =	sbarrier.arrive $0xFFFF  }
0x3b: {  	[sflag:s0] =	ssyncadd.tile.s32 @!p0 $0x1;
	_ =	shalt  }
.Lfunc_end2:
_tile_overlayer_lowered:
.L_overlay_start_2:
0x3c: {  	(tag) =	ssettag $0x2  }
0x3d: {  	s0 =	rddreg [dreg:$0x0];
	s2 =	stileid.u32  }
0x3e: {  	s1 =	rddreg [dreg:$0x1];
	p0 =	sne.s32 s2, $0x0  }
0x3f: {  	s3 =	rddreg [dreg:$0x2];
	[bflag:$0x3] =	sbarrier.arrive $0xFFFF;
	s2 =	simm.s32 @!p0 $0x1C01  }
0x40: {  	[timem:s3], [sflag:s2] =	dma.local @!p0 [hbm:s0], s1  }
0x41: {  	s0 =	simm.s32 @!p0 $0x1  }
0x42: {  	_ =	swait.ge @!p0 [sflag:s0], s1  }
0x43: {  	s1 =	ssub.s32 @!p0 $0x0, s1;
	[sflag:s0] =	ssyncset.done @!p0 $0x0  }
0x44: {  	[sflag:s0] =	ssyncadd.s32 @!p0 s1  }
0x45: {  	[bflag:$0x3] =	sbarrier.arrive $0xFFFF  }
0x46: {  	_ =	shalt  }

// kernel: kernel.9.cloned.1.call-start
scs
__scs_entry_jumppad:
0x0: {  	(pc) =	sbr.rel $0x88, $3  }
0x1: {  	(tag) =	ssettag $0x0;
	lr =	simm.s32 $0x1  }
0x2: {  	[smem:$0x3F97] =	sst lr;
	_ =	strace $0xD0000000  }
0x3: {  	_ = 	snop  }
0x4: {  	_ = 	snop  }
0x5: {  	_ = 	snop  }
0x6: {  	_ = 	snop  }
0x7: {  	_ = 	snop  }
__scs_overlays_trampoline_lowered:
0x8: {  	[smem:$0x3FA6] =	sst s0  }
0x9: {  	[smem:$0x3FA7] =	sst s1  }
0xa: {  	[smem:$0x3FA8] =	sst s2  }
0xb: {  	[smem:$0x3FA9] =	sst s3  }
0xc: {  	[smem:$0x3FAA] =	sst s4  }
0xd: {  	[smem:$0x3FAB] =	sst s5  }
0xe: {  	[smem:$0x3FAC] =	sst s6  }
0xf: {  	[smem:$0x3FAD] =	sst s7  }
0x10: {  	[smem:$0x3FAE] =	sst s8  }
0x11: {  	[smem:$0x3FAF] =	sst s9;
	s0 =	simm.s32 @!p0 $0x0  }
0x12: {  	s1 =	sld [smem:$0x3F95];
	s0 =	simm.s32 @p0 $0x1  }
0x13: {  	[smem:$0x3FB0] =	sst s0;
	s0 =	simm.s32 @!p1 $0x0  }
0x14: {  	s2 =	sld [smem:$0x3F94];
	s0 =	simm.s32 @p1 $0x1  }
0x15: {  	[smem:$0x3FB1] =	sst s0;
	s0 =	simm.s32 @!p2 $0x0  }
0x16: {  	s3 =	sld [smem:$0x3FDB];
	s0 =	simm.s32 @p2 $0x1  }
0x17: {  	s4 =	simm.s32 $0x1BF5;
	[smem:$0x3FB3] =	sst s0  }
0x18: {  	s0 =	sld [smem:$0x3F96];
	_ =	swait.ge [sflag:s4], $0x0  }
0x19: {  	s7 =	sld [smem:$0x3F97]  }
0x1a: {  	s8 =	sadd.s32 $0xFFFFE003, lr  }
0x1b: {  	s9 =	sadd.s32 $0xFFFFFEF7, lr;
	s5 =	simm.s32 $0xFFFFFFFF;
	p2 =	slt.u32 s8, $0xFFFFF086  }
0x1c: {  	p1 =	slt.u32 s9, $0xF7A;
	s5 =	simm.s32 @!p2 $0x0  }
0x1d: {  	s5 =	simm.s32 @p1 $0x1;
	p0 =	seq.s32 s7, s2  }
0x1e: {  	s7 =	smul.u32 @!p0 $0xF7A, s2;
	p2 =	seq.s32 @!p0 s5, $0x0  }
0x1f: {  	s9 =	smul.u32 $0xF7A, s1;
	s8 =	simm.s32 @!p0 $0x1BF5;
	p2 =	por !p2, p0  }
0x20: {  	[sflag:s8] =	ssyncset.s32 @!p0 $0xFFFFF086;
	s6 =	sadd.s32 @!p0 s3, s7;
	s7 =	simm.s32 @!p0 $0x108  }
0x21: {  	s3 =	sadd.s32 s3, s9;
	s6 =	sadd.s32 @!p0 $0x88, s6;
	s7 =	simm.s32 @p2 $0x1082  }
0x22: {  	[simem:s7], [sflag:s8] =	dma.local @!p0 [hbm:s6], $0xF7A  }
0x23: {  	s9 =	sor.u32 $0xD0000000, s2;
	s6 =	simm.s32 $0x108;
	_ =	swait.ge @!p0 [sflag:s8], $0x0  }
0x24: {  	s3 =	sadd.s32 $0x88, s3;
	s6 =	simm.s32 @!p1 $0x1082;
	[sflag:s4] =	ssyncset.s32 $0xFFFFF086  }
0x25: {  	[simem:s6], [sflag:s4] =	dma.local [hbm:s3], $0xF7A  }
0x26: {  	[smem:$0x3F97] =	sst s1;
	(tag) =	ssettag s2;
	_ =	strace s9  }
0x27: {  	s1 =	sld [smem:$0x3FA7]  }
0x28: {  	s2 =	sld [smem:$0x3FA8]  }
0x29: {  	s4 =	sld [smem:$0x3FAA]  }
0x2a: {  	p0 =	seq.s32 s5, $0x0;
	s5 =	sld [smem:$0x3FAB]  }
0x2b: {  	s6 =	sld [smem:$0x3FAC]  }
0x2c: {  	s7 =	sld [smem:$0x3FAD]  }
0x2d: {  	s3 =	simm.s32 $0x108;
	s8 =	sld [smem:$0x3FAE]  }
0x2e: {  	s3 =	simm.s32 @!p0 $0x1082;
	s9 =	sld [smem:$0x3FAF]  }
0x2f: {  	lr =	sadd.s32 s0, s3;
	s0 =	sld [smem:$0x3FA6]  }
0x30: {  	s3 =	sld [smem:$0x3FA9]  }
0x31: {  	[smem:$0x3FB2] =	sst s10  }
0x32: {  	s10 =	sld [smem:$0x3FB0];
	_ =	sdelay $0x3  }
0x33: {  	p0 =	seq.s32 s10, $0x1;
	s10 =	sld [smem:$0x3FB2];
	_ =	sdelay $0x3  }
0x34: {  	[smem:$0x3FB2] =	sst s10  }
0x35: {  	s10 =	sld [smem:$0x3FB1];
	_ =	sdelay $0x3  }
0x36: {  	p1 =	seq.s32 s10, $0x1;
	s10 =	sld [smem:$0x3FB2];
	_ =	sdelay $0x3  }
0x37: {  	[smem:$0x3FB2] =	sst s10  }
0x38: {  	s10 =	sld [smem:$0x3FB3]  }
0x39: {  	_ = 	snop;
	(pc) =	sbr.ind lr, $3  }
0x3a: {  	_ = 	snop  }
0x3b: {  	_ = 	snop  }
0x3c: {  	p2 =	seq.s32 s10, $0x1;
	s10 =	sld [smem:$0x3FB2]  }
0x3d: {  	_ =	shalt  }
0x3e: {  	_ =	shalt  }
0x3f: {  	_ =	shalt  }
0x40: {  	_ =	shalt  }
0x41: {  	_ =	shalt  }
0x42: {  	_ =	shalt  }
0x43: {  	_ =	shalt  }
0x44: {  	_ =	shalt  }
0x45: {  	_ =	shalt  }
0x46: {  	_ =	shalt  }
0x47: {  	_ =	shalt  }
0x48: {  	_ =	shalt  }
0x49: {  	_ =	shalt  }
0x4a: {  	_ =	shalt  }
0x4b: {  	_ =	shalt  }
0x4c: {  	_ =	shalt  }
0x4d: {  	_ =	shalt  }
0x4e: {  	_ =	shalt  }
0x4f: {  	_ =	shalt  }
0x50: {  	_ =	shalt  }
0x51: {  	_ =	shalt  }
0x52: {  	_ =	shalt  }
0x53: {  	_ =	shalt  }
0x54: {  	_ =	shalt  }
0x55: {  	_ =	shalt  }
0x56: {  	_ =	shalt  }
0x57: {  	_ =	shalt  }
0x58: {  	_ =	shalt  }
0x59: {  	_ =	shalt  }
0x5a: {  	_ =	shalt  }
0x5b: {  	_ =	shalt  }
0x5c: {  	_ =	shalt  }
0x5d: {  	_ =	shalt  }
0x5e: {  	_ =	shalt  }
0x5f: {  	_ =	shalt  }
0x60: {  	_ =	shalt  }
0x61: {  	_ =	shalt  }
0x62: {  	_ =	shalt  }
0x63: {  	_ =	shalt  }
0x64: {  	_ =	shalt  }
0x65: {  	_ =	shalt  }
0x66: {  	_ =	shalt  }
0x67: {  	_ =	shalt  }
0x68: {  	_ =	shalt  }
0x69: {  	_ =	shalt  }
0x6a: {  	_ =	shalt  }
0x6b: {  	_ =	shalt  }
0x6c: {  	_ =	shalt  }
0x6d: {  	_ =	shalt  }
0x6e: {  	_ =	shalt  }
0x6f: {  	_ =	shalt  }
0x70: {  	_ =	shalt  }
0x71: {  	_ =	shalt  }
0x72: {  	_ =	shalt  }
0x73: {  	_ =	shalt  }
0x74: {  	_ =	shalt  }
0x75: {  	_ =	shalt  }
0x76: {  	_ =	shalt  }
0x77: {  	_ =	shalt  }
0x78: {  	_ =	shalt  }
0x79: {  	_ =	shalt  }
0x7a: {  	_ =	shalt  }
0x7b: {  	_ =	shalt  }
0x7c: {  	_ =	shalt  }
0x7d: {  	_ =	shalt  }
0x7e: {  	_ =	shalt  }
0x7f: {  	_ =	shalt  }
0x80: {  	_ =	shalt  }
0x81: {  	_ =	shalt  }
0x82: {  	_ =	shalt  }
0x83: {  	_ =	shalt  }
0x84: {  	_ =	shalt  }
0x85: {  	_ =	shalt  }
0x86: {  	_ =	shalt  }
0x87: {  	_ =	shalt  }
.Lfunc_end0:
.L_simem_size_0:
called_computation.1_lowered:
.L_overlay_start_0:
0x88: {  	s2 =	sld [smem:$0x3FD9]  }
0x89: {  	s3 =	sld [smem:$0x3FFE];
	_ =	sdelay $0x1  }
0x8a: {  	s1 =	srdreg.scid  }
0x8b: {  	s0 =	sand.u32 $0x1, s1  }
0x8c: {  	s17 =	sshll.u32 s0, $0xA;
	s2 =	sadd.s32 s3, s2  }
0x8d: {  	s2 =	sadd.s32 s2, s17  }
0x8e: {  	[smem:$0x3FBE] =	sst s2  }
0x8f: {  	_ = 	snop  }
0x90: {  	s2 =	sld [smem:$0x3FD0];
	(tm) =	ssettm $0x1  }
0x91: {  	s18 =	sld [smem:$0x3FFB];
	_ =	sdelay $0x3  }
0x92: {  	_ =	strace s18  }
0x93: {  	s3 =	sld [smem:$0x3FFC];
	_ =	sdelay $0x3  }
0x94: {  	_ =	strace s3  }
0x95: {  	s3 =	sld [smem:$0x3FFD];
	_ =	sdelay $0x3  }
0x96: {  	_ =	strace s3  }
0x97: {  	_ =	strace $0x8FFFFFFF  }
0x98: {  	s19 =	sld [smem:$0x3FDB];
	_ =	sdelay $0x1  }
0x99: {  	s4 =	simm.s32 $_scs_section_size  }
0x9a: {  	s5 =	simm.s32 $_size__tile_overlayer_lowered;
	s6 =	simm.s32 $_tile_overlayer_lowered  }
0x9b: {  	s22 =	simm.s32 $0x1BFF;
	s21 =	sshll.u32 s6, $0x1;
	s3 =	sadd.s32 s4, s19  }
0x9c: {  	s7 =	simm.s32 $0x0;
	s20 =	sshll.u32 s5, $0x1;
	s5 =	sadd.s32 s21, s3  }
0x9d: {  	[timem:s7], [sflag:s22] =	dma.local [hbm:s5], s20  }
0x9e: {  	_ =	swait.ge [sflag:s22], s20  }
0x9f: {  	s4 =	ssub.s32 $0x0, s20;
	[sflag:s22] =	ssyncset.done $0x0  }
0xa0: {  	[sflag:s22] =	ssyncadd.s32 s4;
	_ =	sdelay $0x1  }
0xa1: {  	s23 =	simm.s32 $0x1B8B  }
0xa2: {  	_ =	swait.ge [sflag:s23], $0x1  }
0xa3: {  	[sflag:s23] =	ssyncset.done $0x0  }
0xa4: {  	s25 =	simm.s32 $0x1B8E;
	s24 =	sld [smem:$0x3FFE];
	[sflag:s23] =	ssyncadd.s32 $0xFFFFFFFF  }
0xa5: {  	s26 =	simm.s32 $execute0_lowered;
	[smem:$0x3FD2] =	sst s25  }
0xa6: {  	s5 =	sshll.u32 s26, $0x1;
	_ =	strace $0x80000049;
	[dreg:$0x1] =	wrdreg $0xFFFFFFFF  }
0xa7: {  	s28 =	simm.s32 $_size_execute0_lowered;
	s3 =	sadd.s32 s3, s5;
	[dreg:$0x0] =	wrdreg $0x0  }
0xa8: {  	s5 =	sshll.u32 s28, $0x1;
	[dreg:$0x2] =	wrdreg s3  }
0xa9: {  	[dreg:$0x3] =	wrdreg s5  }
0xaa: {  	[dreg:$0x4] =	wrdreg $0xC0  }
0xab: {  	_ =	task [dreg:s7], $0x5FFFF  }
0xac: {  	[dreg:$0x1] =	wrdreg $0xFFFFFFFF  }
0xad: {  	[dreg:$0x0] =	wrdreg $0x60  }
0xae: {  	[dreg:$0x2] =	wrdreg s24  }
0xaf: {  	[dreg:$0x3] =	wrdreg s2  }
0xb0: {  	[dreg:$0x4] =	wrdreg $0x88000  }
0xb1: {  	[dreg:$0x5] =	wrdreg $0x9  }
0xb2: {  	_ =	task.clear_ibuf [dreg:s7], $0x6FFFF;
	_ =	strace $0x90000049  }
0xb3: {  	s29 =	simm.s32 $0x9;
	_ =	strace $0x8000004B  }
0xb4: {  	_ =	swait.ge [sflag:s29], $0x1  }
0xb5: {  	[sflag:s29] =	ssyncadd.s32 $0xFFFFFFFF  }
0xb6: {  	_ =	strace $0x9000004B  }
0xb7: {  	_ =	sfence  }
0xb8: {  	s30 =	sld [smem:$0x0];
	_ =	sdelay $0x2  }
0xb9: {  	s31 =	sshll.u32 s1, $0xD;
	s1 =	sshrl.u32 s1, $0x2  }
0xba: {  	s3 =	sand.u32 $0x4000, s31;
	s1 =	sadd.s32 s1, s30  }
0xbb: {  	s0 =	sor.u32 s3, s0;
	s1 =	sshll.u32 s1, $0x11  }
0xbc: {  	s0 =	sor.u32 s1, s0  }
0xbd: {  	s0 =	sadd.s32 $0x8F2B, s0  }
0xbe: {  	[sflag:s0] =	ssyncadd.remote.s32 $0x1  }
0xbf: {  	_ =	sfence.sel $0xFFFF  }
0xc0: {  	[dreg:$0x0] =	wrdreg $0xFFFFFFFF;
	(pc) =	sbr.abs _section_cstart, $3  }
0xc1: {  	[dreg:$0x1] =	wrdreg $0xFFFFFFFF  }
0xc2: {  	_ =	task.clear_ibuf [dreg:s7], $0x2FFFF;
	_ =	strace $0x9FFFFFFF  }
0xc3: {  	(tm) =	ssettm $0x7FFFFFFF  }
tec
execute0_lowered:
.L_overlay_start_1:
0x0: {  	(tag) =	ssettag $0x1  }
0x1: {  	s0 =	rddreg [dreg:$0x0]  }
0x2: {  	s3 =	rddreg [dreg:$0x2];
	s1 =	srdreg.scid  }
0x3: {  	s10 =	stileid.u32;
	s4 =	simm.s32 $0x0;
	s28 =	simm.s32 $0x80  }
0x4: {  	s29 =	simm.s32 $0x800;
	s30 =	simm.s32 $0x2;
	s31 =	simm.s32 $0x4800  }
0x5: {  	s1 =	sand.u32 $0x1, s1;
	s2 =	smul.u32 $0x2800, s10;
	[smem:$0x7FF] =	sst s4  }
0x6: {  	s5 =	sadd.s32 $0x16A00, s0;
	s7 =	sadd.s32 $0x2A00, s0;
	s8 =	smul.u32 $0x50000, s10  }
0x7: {  	s22 =	sshll.u32 s10, $0x6;
	s6 =	smul.u32 $0x28000, s1;
	_ =	strace $0x8000004A  }
0x8: {  	s21 =	sshll.u32 s1, $0x4;
	s1 =	ssub.s32 $0x2, s1;
	s14 =	sor.u32 $0x1C0D, s22  }
0x9: {  	s9 =	sshrl.u32 s1, $0x1;
	s8 =	sshrl.u32 s8, $0x2;
	[dreg:$0xd] =	wrdreg s14  }
0xa: {  	s2 =	sadd.s32 s2, s6;
	s6 =	sor.u32 s10, s21;
	s1 =	ssub.s32 s1, s9  }
0xb: {  	s8 =	sadd.s32 s8, s3;
	s0 =	sadd.s32 s2, s0;
	s6 =	smul.u32 $0xA00, s6  }
0xc: {  	[dreg:$0xc] =	wrdreg s8;
	s10 =	sor.u32 $0x780, s2;
	s12 =	sor.u32 $0x700, s2  }
0xd: {  	s15 =	sor.u32 $0x680, s2;
	s17 =	sor.u32 $0x600, s2;
	s18 =	sor.u32 $0x580, s2  }
0xe: {  	s22 =	sor.u32 $0x500, s2;
	s1 =	smax.u32 s1, $0x1;
	s16 =	sshrl.u32 s15, $0x2  }
0xf: {  	s20 =	sshrl.u32 s18, $0x2;
	s0 =	sadd.s32 $0x3DC00, s0;
	[dreg:$0x17] =	wrdreg s1  }
0x10: {  	s1 =	simm.s32 $0x3;
	s23 =	sadd.s32 s7, s6;
	[dreg:$0x16] =	wrdreg s0  }
0x11: {  	s15 =	simm.s32 $0x6;
	s21 =	sadd.s32 s20, s7;
	[dreg:$0xe] =	wrdreg s23  }
0x12: {  	s18 =	simm.s32 $0x680;
	s6 =	sadd.s32 $0x20, s23;
	[dreg:$0x8] =	wrdreg s21  }
0x13: {  	s20 =	simm.s32 $0x200;
	s24 =	sadd.s32 $0x40, s23;
	[dreg:$0xf] =	wrdreg s6  }
0x14: {  	s0 =	simm.s32 $0x9;
	s25 =	sadd.s32 $0x60, s23;
	[dreg:$0x10] =	wrdreg s24  }
0x15: {  	s26 =	sadd.s32 $0x80, s23;
	s8 =	sadd.s32 $0xA0, s23;
	[dreg:$0x11] =	wrdreg s25  }
0x16: {  	s11 =	sadd.s32 $0xC0, s23;
	s9 =	sadd.s32 $0xE0, s23;
	[dreg:$0x12] =	wrdreg s26  }
0x17: {  	s23 =	sshrl.u32 s22, $0x2;
	s21 =	simm.s32 $0x300;
	[dreg:$0x13] =	wrdreg s8  }
0x18: {  	s22 =	simm.s32 $0x400;
	[dreg:$0x14] =	wrdreg s11;
	s6 =	sshrl.u32 s10, $0x2  }
0x19: {  	[dreg:$0x15] =	wrdreg s9;
	s8 =	sshrl.u32 s12, $0x2;
	s24 =	sor.u32 $0x480, s2  }
0x1a: {  	s2 =	sor.u32 $0x400, s2;
	s10 =	simm.s32 $0x4;
	s11 =	simm.s32 $0xC  }
0x1b: {  	s9 =	simm.s32 $0x780;
	s6 =	sadd.s32 s6, s7;
	s13 =	sadd.s32 s8, s7  }
0x1c: {  	s8 =	sshrl.u32 s17, $0x2;
	s2 =	sshrl.u32 s2, $0x2;
	[dreg:$0x4] =	wrdreg s6  }
0x1d: {  	s17 =	simm.s32 $0x7;
	[dreg:$0x5] =	wrdreg s13;
	s6 =	sadd.s32 s16, s7  }
0x1e: {  	s19 =	sadd.s32 s8, s7;
	s8 =	sshrl.u32 s24, $0x2;
	s26 =	sadd.s32 s2, s7  }
0x1f: {  	s16 =	simm.s32 $0xD;
	s24 =	simm.s32 $0x600;
	[dreg:$0x6] =	wrdreg s6  }
0x20: {  	s2 =	simm.s32 $0xB;
	s13 =	simm.s32 $0x5;
	[dreg:$0x7] =	wrdreg s19  }
0x21: {  	s6 =	sadd.s32 s23, s7;
	s25 =	sadd.s32 s8, s7;
	[dreg:$0xb] =	wrdreg s26  }
0x22: {  	s19 =	simm.s32 $0x100;
	s23 =	simm.s32 $0x500;
	s26 =	simm.s32 $0x1  }
0x23: {  	s7 =	simm.s32 $0x8;
	s8 =	simm.s32 $0x0;
	[dreg:$0x9] =	wrdreg s6  }
0x24: {  	[dreg:$0xa] =	wrdreg s25;
	s25 =	simm.s32 $0x700;
	s6 =	simm.s32 $0xA  }
.LBB2_1:
0x25: {  	[dreg:$0x18] =	wrdreg s8  }
0x26: {  	s12 =	rddreg [dreg:$0xc]  }
0x27: {  	s8 =	sshrl.u32 s12, $0x3;
	s12 =	rddreg [dreg:$0x1]  }
0x28: {  	[dreg:$0x19] =	wrdreg s8  }
0x29: {  	[spmem:s8], [sflag:s14] =	dma.local [hbm:s12], $0x2800  }
0x2a: {  	_ =	swait.ge [sflag:s16], $0x2800  }
0x2b: {  	[sflag:s16] =	ssyncset.done $0x0  }
0x2c: {  	[sflag:s16] =	ssyncadd.s32 $0xFFFFD800  }
0x2d: {  	[bflag:$0x0] =	sbarrier.arrive $0xFFFF  }
0x2e: {  	s16 =	rddreg [dreg:$0xe]  }
0x2f: {  	[tilespmem:s4], [sflag:$0x1] =	stream.linear.gather [hbm4b:s16+s4], $0x100, $0x38;
	[tilespmem:$0x1C800] =	vst v63  }
0x30: {  	s8 =	rddreg [dreg:$0xf]  }
0x31: {  	[tilespmem:s19], [sflag:$0x2] =	stream.linear.gather [hbm4b:s8+s4], $0x100, $0x38;
	[tilespmem:$0x1C800] =	vst v63  }
0x32: {  	s14 =	rddreg [dreg:$0x10]  }
0x33: {  	[tilespmem:s20], [sflag:$0x3] =	stream.linear.gather [hbm4b:s14+s4], $0x100, $0x38;
	[tilespmem:$0x1C800] =	vst v63  }
0x34: {  	s16 =	rddreg [dreg:$0x11]  }
0x35: {  	[tilespmem:s21], [sflag:$0x4] =	stream.linear.gather [hbm4b:s16+s4], $0x100, $0x38;
	[tilespmem:$0x1C800] =	vst v63  }
0x36: {  	s8 =	rddreg [dreg:$0x12]  }
0x37: {  	[tilespmem:s22], [sflag:$0x5] =	stream.linear.gather [hbm4b:s8+s4], $0x100, $0x38;
	[tilespmem:$0x1C800] =	vst v63  }
0x38: {  	s14 =	rddreg [dreg:$0x13]  }
0x39: {  	[tilespmem:s23], [sflag:$0x6] =	stream.linear.gather [hbm4b:s14+s4], $0x100, $0x38;
	[tilespmem:$0x1C800] =	vst v63  }
0x3a: {  	s16 =	rddreg [dreg:$0x14]  }
0x3b: {  	[tilespmem:s24], [sflag:$0x7] =	stream.linear.gather [hbm4b:s16+s4], $0x100, $0x38;
	[tilespmem:$0x1C800] =	vst v63  }
0x3c: {  	s8 =	rddreg [dreg:$0x15]  }
0x3d: {  	[tilespmem:s25], [sflag:$0x8] =	stream.linear.gather [hbm4b:s8+s4], $0x100, $0x38;
	[tilespmem:$0x1C800] =	vst v63  }
0x3e: {  	_ =	swait.ge [sflag:s26], $0x100  }
0x3f: {  	[sflag:s26] =	ssyncset.done $0x0  }
0x40: {  	[sflag:s26] =	ssyncadd.s32 $0xFFFFFF00  }
0x41: {  	[tilespmem:s29], [sflag:$0x9] =	stream.indirect.gather [hbm4b:s5+s28], $0x80, s4, s28, $0xb8;
	[tilespmem:$0x1C800] =	vst v63  }
0x42: {  	_ =	swait.ge [sflag:s30], $0x100  }
0x43: {  	[sflag:s30] =	ssyncset.done $0x0  }
0x44: {  	[sflag:s30] =	ssyncadd.s32 $0xFFFFFF00  }
0x45: {  	[tilespmem:s31], [sflag:$0xA] =	stream.indirect.gather [hbm4b:s5+s28], $0x80, s19, s28, $0xb8;
	[tilespmem:$0x1C800] =	vst v63  }
0x46: {  	_ =	swait.ge [sflag:s0], $0x4000  }
0x47: {  	[sflag:s0] =	ssyncset.done $0x0  }
0x48: {  	[sflag:s0] =	ssyncadd.s32 $0xFFFFC000  }
0x49: {  	[spmem:s3] =	stream.indirect.scatter.add.f32 [tilespmem:s29], [sflag:$0xB], $0x80, s28, s28, $0xb8;
	[tilespmem:$0x1C800] =	vst v63  }
0x4a: {  	_ =	swait.ge [sflag:s1], $0x100  }
0x4b: {  	[sflag:s1] =	ssyncset.done $0x0  }
0x4c: {  	[sflag:s1] =	ssyncadd.s32 $0xFFFFFF00  }
0x4d: {  	_ =	swait.ge [sflag:s2], $0x4000  }
0x4e: {  	[sflag:s2] =	ssyncset.done $0x0  }
0x4f: {  	[sflag:s2] =	ssyncadd.s32 $0xFFFFC000  }
0x50: {  	[tilespmem:s29], [sflag:$0x9] =	stream.indirect.gather [hbm4b:s5+s28], $0x80, s20, s28, $0xb8;
	[tilespmem:$0x1C800] =	vst v63  }
0x51: {  	_ =	swait.ge [sflag:s6], $0x4000  }
0x52: {  	[sflag:s6] =	ssyncset.done $0x0  }
0x53: {  	s16 =	simm.s32 $0x180;
	s14 =	rddreg [dreg:$0xb];
	[sflag:s6] =	ssyncadd.s32 $0xFFFFC000  }
0x54: {  	[spmem:s3] =	stream.indirect.scatter.add.f32 [tilespmem:s31], [sflag:$0xC], $0x80, s16, s28, $0xb8;
	[tilespmem:$0x1C800] =	vst v63  }
0x55: {  	s12 =	sadd.s32 $0x0, s14  }
0x56: {  	[tilespmem:s4], [sflag:$0x1] =	stream.linear.gather [hbm4b:s12+s4], $0x100, $0x38;
	[tilespmem:$0x1C800] =	vst v63  }
0x57: {  	_ =	swait.ge [sflag:s10], $0x100  }
0x58: {  	[sflag:s10] =	ssyncset.done $0x0  }
0x59: {  	[sflag:s10] =	ssyncadd.s32 $0xFFFFFF00  }
0x5a: {  	_ =	swait.ge [sflag:s11], $0x4000  }
0x5b: {  	[sflag:s11] =	ssyncset.done $0x0  }
0x5c: {  	[sflag:s11] =	ssyncadd.s32 $0xFFFFC000  }
0x5d: {  	[tilespmem:s31], [sflag:$0xA] =	stream.indirect.gather [hbm4b:s5+s28], $0x80, s21, s28, $0xb8;
	[tilespmem:$0x1C800] =	vst v63  }
0x5e: {  	_ =	swait.ge [sflag:s0], $0x4000  }
0x5f: {  	[sflag:s0] =	ssyncset.done $0x0  }
0x60: {  	s16 =	simm.s32 $0x280;
	s14 =	rddreg [dreg:$0xa];
	[sflag:s0] =	ssyncadd.s32 $0xFFFFC000  }
0x61: {  	[spmem:s3] =	stream.indirect.scatter.add.f32 [tilespmem:s29], [sflag:$0xB], $0x80, s16, s28, $0xb8;
	[tilespmem:$0x1C800] =	vst v63  }
0x62: {  	s12 =	sadd.s32 $0x0, s14  }
0x63: {  	[tilespmem:s19], [sflag:$0x2] =	stream.linear.gather [hbm4b:s12+s4], $0x100, $0x38;
	[tilespmem:$0x1C800] =	vst v63  }
0x64: {  	_ =	swait.ge [sflag:s13], $0x100  }
0x65: {  	[sflag:s13] =	ssyncset.done $0x0  }
0x66: {  	[sflag:s13] =	ssyncadd.s32 $0xFFFFFF00  }
0x67: {  	_ =	swait.ge [sflag:s2], $0x4000  }
0x68: {  	[sflag:s2] =	ssyncset.done $0x0  }
0x69: {  	[sflag:s2] =	ssyncadd.s32 $0xFFFFC000  }
0x6a: {  	[tilespmem:s29], [sflag:$0x9] =	stream.indirect.gather [hbm4b:s5+s28], $0x80, s22, s28, $0xb8;
	[tilespmem:$0x1C800] =	vst v63  }
0x6b: {  	_ =	swait.ge [sflag:s6], $0x4000  }
0x6c: {  	[sflag:s6] =	ssyncset.done $0x0  }
0x6d: {  	s16 =	simm.s32 $0x380;
	s14 =	rddreg [dreg:$0x9];
	[sflag:s6] =	ssyncadd.s32 $0xFFFFC000  }
0x6e: {  	[spmem:s3] =	stream.indirect.scatter.add.f32 [tilespmem:s31], [sflag:$0xC], $0x80, s16, s28, $0xb8;
	[tilespmem:$0x1C800] =	vst v63  }
0x6f: {  	s12 =	sadd.s32 $0x0, s14  }
0x70: {  	[tilespmem:s20], [sflag:$0x3] =	stream.linear.gather [hbm4b:s12+s4], $0x100, $0x38;
	[tilespmem:$0x1C800] =	vst v63  }
0x71: {  	_ =	swait.ge [sflag:s15], $0x100  }
0x72: {  	[sflag:s15] =	ssyncset.done $0x0  }
0x73: {  	[sflag:s15] =	ssyncadd.s32 $0xFFFFFF00  }
0x74: {  	_ =	swait.ge [sflag:s11], $0x4000  }
0x75: {  	[sflag:s11] =	ssyncset.done $0x0  }
0x76: {  	[sflag:s11] =	ssyncadd.s32 $0xFFFFC000  }
0x77: {  	[tilespmem:s31], [sflag:$0xA] =	stream.indirect.gather [hbm4b:s5+s28], $0x80, s23, s28, $0xb8;
	[tilespmem:$0x1C800] =	vst v63  }
0x78: {  	_ =	swait.ge [sflag:s0], $0x4000  }
0x79: {  	[sflag:s0] =	ssyncset.done $0x0  }
0x7a: {  	s16 =	simm.s32 $0x480;
	s14 =	rddreg [dreg:$0x8];
	[sflag:s0] =	ssyncadd.s32 $0xFFFFC000  }
0x7b: {  	[spmem:s3] =	stream.indirect.scatter.add.f32 [tilespmem:s29], [sflag:$0xB], $0x80, s16, s28, $0xb8;
	[tilespmem:$0x1C800] =	vst v63  }
0x7c: {  	s12 =	sadd.s32 $0x0, s14  }
0x7d: {  	[tilespmem:s21], [sflag:$0x4] =	stream.linear.gather [hbm4b:s12+s4], $0x100, $0x38;
	[tilespmem:$0x1C800] =	vst v63  }
0x7e: {  	_ =	swait.ge [sflag:s17], $0x100  }
0x7f: {  	[sflag:s17] =	ssyncset.done $0x0  }
0x80: {  	[sflag:s17] =	ssyncadd.s32 $0xFFFFFF00  }
0x81: {  	_ =	swait.ge [sflag:s2], $0x4000  }
0x82: {  	[sflag:s2] =	ssyncset.done $0x0  }
0x83: {  	[sflag:s2] =	ssyncadd.s32 $0xFFFFC000  }
0x84: {  	[tilespmem:s29], [sflag:$0x9] =	stream.indirect.gather [hbm4b:s5+s28], $0x80, s24, s28, $0xb8;
	[tilespmem:$0x1C800] =	vst v63  }
0x85: {  	_ =	swait.ge [sflag:s6], $0x4000  }
0x86: {  	[sflag:s6] =	ssyncset.done $0x0  }
0x87: {  	s16 =	simm.s32 $0x580;
	s14 =	rddreg [dreg:$0x7];
	[sflag:s6] =	ssyncadd.s32 $0xFFFFC000  }
0x88: {  	[spmem:s3] =	stream.indirect.scatter.add.f32 [tilespmem:s31], [sflag:$0xC], $0x80, s16, s28, $0xb8;
	[tilespmem:$0x1C800] =	vst v63  }
0x89: {  	s12 =	sadd.s32 $0x0, s14  }
0x8a: {  	[tilespmem:s22], [sflag:$0x5] =	stream.linear.gather [hbm4b:s12+s4], $0x100, $0x38;
	[tilespmem:$0x1C800] =	vst v63  }
0x8b: {  	_ =	swait.ge [sflag:s7], $0x100  }
0x8c: {  	[sflag:s7] =	ssyncset.done $0x0  }
0x8d: {  	[sflag:s7] =	ssyncadd.s32 $0xFFFFFF00  }
0x8e: {  	_ =	swait.ge [sflag:s11], $0x4000  }
0x8f: {  	[sflag:s11] =	ssyncset.done $0x0  }
0x90: {  	[sflag:s11] =	ssyncadd.s32 $0xFFFFC000  }
0x91: {  	[tilespmem:s31], [sflag:$0xA] =	stream.indirect.gather [hbm4b:s5+s28], $0x80, s25, s28, $0xb8;
	[tilespmem:$0x1C800] =	vst v63  }
0x92: {  	_ =	swait.ge [sflag:s0], $0x4000  }
0x93: {  	[sflag:s0] =	ssyncset.done $0x0  }
0x94: {  	s8 =	rddreg [dreg:$0x6];
	[sflag:s0] =	ssyncadd.s32 $0xFFFFC000  }
0x95: {  	[spmem:s3] =	stream.indirect.scatter.add.f32 [tilespmem:s29], [sflag:$0xB], $0x80, s18, s28, $0xb8;
	[tilespmem:$0x1C800] =	vst v63  }
0x96: {  	s12 =	sadd.s32 $0x0, s8  }
0x97: {  	[tilespmem:s23], [sflag:$0x6] =	stream.linear.gather [hbm4b:s12+s4], $0x100, $0x38;
	[tilespmem:$0x1C800] =	vst v63  }
0x98: {  	_ =	swait.ge [sflag:s26], $0x100  }
0x99: {  	[sflag:s26] =	ssyncset.done $0x0  }
0x9a: {  	[sflag:s26] =	ssyncadd.s32 $0xFFFFFF00  }
0x9b: {  	_ =	swait.ge [sflag:s2], $0x4000  }
0x9c: {  	[sflag:s2] =	ssyncset.done $0x0  }
0x9d: {  	[sflag:s2] =	ssyncadd.s32 $0xFFFFC000  }
0x9e: {  	[tilespmem:s29], [sflag:$0x9] =	stream.indirect.gather [hbm4b:s5+s28], $0x80, s4, s28, $0xb8;
	[tilespmem:$0x1C800] =	vst v63  }
0x9f: {  	_ =	swait.ge [sflag:s6], $0x4000  }
0xa0: {  	[sflag:s6] =	ssyncset.done $0x0  }
0xa1: {  	s14 =	rddreg [dreg:$0x5];
	[sflag:s6] =	ssyncadd.s32 $0xFFFFC000  }
0xa2: {  	[spmem:s3] =	stream.indirect.scatter.add.f32 [tilespmem:s31], [sflag:$0xC], $0x80, s9, s28, $0xb8;
	[tilespmem:$0x1C800] =	vst v63  }
0xa3: {  	s12 =	sadd.s32 $0x0, s14  }
0xa4: {  	[tilespmem:s24], [sflag:$0x7] =	stream.linear.gather [hbm4b:s12+s4], $0x100, $0x38;
	[tilespmem:$0x1C800] =	vst v63  }
0xa5: {  	_ =	swait.ge [sflag:s30], $0x100  }
0xa6: {  	[sflag:s30] =	ssyncset.done $0x0  }
0xa7: {  	[sflag:s30] =	ssyncadd.s32 $0xFFFFFF00  }
0xa8: {  	_ =	swait.ge [sflag:s11], $0x4000  }
0xa9: {  	[sflag:s11] =	ssyncset.done $0x0  }
0xaa: {  	[sflag:s11] =	ssyncadd.s32 $0xFFFFC000  }
0xab: {  	[tilespmem:s31], [sflag:$0xA] =	stream.indirect.gather [hbm4b:s5+s28], $0x80, s19, s28, $0xb8;
	[tilespmem:$0x1C800] =	vst v63  }
0xac: {  	_ =	swait.ge [sflag:s0], $0x4000  }
0xad: {  	[sflag:s0] =	ssyncset.done $0x0;
	s16 =	rddreg [dreg:$0x4]  }
0xae: {  	s12 =	simm.s32 $0x100;
	[sflag:s0] =	ssyncadd.s32 $0xFFFFC000;
	s14 =	sadd.s32 $0x0, s16  }
0xaf: {  	[spmem:s3] =	stream.indirect.scatter.add.f32 [tilespmem:s29], [sflag:$0xB], $0x80, s28, s28, $0xb8;
	[tilespmem:$0x1C800] =	vst v63  }
.LBB2_2:
0xb0: {  	[tilespmem:s25], [sflag:$0x8] =	stream.linear.gather [hbm4b:s14+s4], $0x100, $0x38;
	[tilespmem:$0x1C800] =	vst v63  }
0xb1: {  	_ =	swait.ge [sflag:s1], $0x100  }
0xb2: {  	[sflag:s1] =	ssyncset.done $0x0  }
0xb3: {  	[sflag:s1] =	ssyncadd.s32 $0xFFFFFF00  }
0xb4: {  	_ =	swait.ge [sflag:s2], $0x4000  }
0xb5: {  	[sflag:s2] =	ssyncset.done $0x0  }
0xb6: {  	[sflag:s2] =	ssyncadd.s32 $0xFFFFC000  }
0xb7: {  	[tilespmem:s29], [sflag:$0x9] =	stream.indirect.gather [hbm4b:s5+s28], $0x80, s20, s28, $0xb8;
	[tilespmem:$0x1C800] =	vst v63  }
0xb8: {  	_ =	swait.ge [sflag:s6], $0x4000  }
0xb9: {  	s14 =	smov.u32 s12;
	[sflag:s6] =	ssyncset.done $0x0  }
0xba: {  	s8 =	simm.s32 $0x180;
	s16 =	rddreg [dreg:$0xb];
	[sflag:s6] =	ssyncadd.s32 $0xFFFFC000  }
0xbb: {  	[spmem:s3] =	stream.indirect.scatter.add.f32 [tilespmem:s31], [sflag:$0xC], $0x80, s8, s28, $0xb8;
	[tilespmem:$0x1C800] =	vst v63  }
0xbc: {  	s16 =	sadd.s32 s14, s16  }
0xbd: {  	[tilespmem:s4], [sflag:$0x1] =	stream.linear.gather [hbm4b:s16+s4], $0x100, $0x38;
	[tilespmem:$0x1C800] =	vst v63  }
0xbe: {  	_ =	swait.ge [sflag:s10], $0x100  }
0xbf: {  	[sflag:s10] =	ssyncset.done $0x0  }
0xc0: {  	[sflag:s10] =	ssyncadd.s32 $0xFFFFFF00  }
0xc1: {  	_ =	swait.ge [sflag:s11], $0x4000  }
0xc2: {  	[sflag:s11] =	ssyncset.done $0x0  }
0xc3: {  	[sflag:s11] =	ssyncadd.s32 $0xFFFFC000  }
0xc4: {  	[tilespmem:s31], [sflag:$0xA] =	stream.indirect.gather [hbm4b:s5+s28], $0x80, s21, s28, $0xb8;
	[tilespmem:$0x1C800] =	vst v63  }
0xc5: {  	_ =	swait.ge [sflag:s0], $0x4000  }
0xc6: {  	[sflag:s0] =	ssyncset.done $0x0  }
0xc7: {  	s8 =	simm.s32 $0x280;
	s16 =	rddreg [dreg:$0xa];
	[sflag:s0] =	ssyncadd.s32 $0xFFFFC000  }
0xc8: {  	[spmem:s3] =	stream.indirect.scatter.add.f32 [tilespmem:s29], [sflag:$0xB], $0x80, s8, s28, $0xb8;
	[tilespmem:$0x1C800] =	vst v63  }
0xc9: {  	s16 =	sadd.s32 s14, s16  }
0xca: {  	[tilespmem:s19], [sflag:$0x2] =	stream.linear.gather [hbm4b:s16+s4], $0x100, $0x38;
	[tilespmem:$0x1C800] =	vst v63  }
0xcb: {  	_ =	swait.ge [sflag:s13], $0x100  }
0xcc: {  	[sflag:s13] =	ssyncset.done $0x0  }
0xcd: {  	[sflag:s13] =	ssyncadd.s32 $0xFFFFFF00  }
0xce: {  	_ =	swait.ge [sflag:s2], $0x4000  }
0xcf: {  	[sflag:s2] =	ssyncset.done $0x0  }
0xd0: {  	[sflag:s2] =	ssyncadd.s32 $0xFFFFC000  }
0xd1: {  	[tilespmem:s29], [sflag:$0x9] =	stream.indirect.gather [hbm4b:s5+s28], $0x80, s22, s28, $0xb8;
	[tilespmem:$0x1C800] =	vst v63  }
0xd2: {  	_ =	swait.ge [sflag:s6], $0x4000  }
0xd3: {  	[sflag:s6] =	ssyncset.done $0x0  }
0xd4: {  	s8 =	simm.s32 $0x380;
	s16 =	rddreg [dreg:$0x9];
	[sflag:s6] =	ssyncadd.s32 $0xFFFFC000  }
0xd5: {  	[spmem:s3] =	stream.indirect.scatter.add.f32 [tilespmem:s31], [sflag:$0xC], $0x80, s8, s28, $0xb8;
	[tilespmem:$0x1C800] =	vst v63  }
0xd6: {  	s16 =	sadd.s32 s14, s16  }
0xd7: {  	[tilespmem:s20], [sflag:$0x3] =	stream.linear.gather [hbm4b:s16+s4], $0x100, $0x38;
	[tilespmem:$0x1C800] =	vst v63  }
0xd8: {  	_ =	swait.ge [sflag:s15], $0x100  }
0xd9: {  	[sflag:s15] =	ssyncset.done $0x0  }
0xda: {  	[sflag:s15] =	ssyncadd.s32 $0xFFFFFF00  }
0xdb: {  	_ =	swait.ge [sflag:s11], $0x4000  }
0xdc: {  	[sflag:s11] =	ssyncset.done $0x0  }
0xdd: {  	[sflag:s11] =	ssyncadd.s32 $0xFFFFC000  }
0xde: {  	[tilespmem:s31], [sflag:$0xA] =	stream.indirect.gather [hbm4b:s5+s28], $0x80, s23, s28, $0xb8;
	[tilespmem:$0x1C800] =	vst v63  }
0xdf: {  	_ =	swait.ge [sflag:s0], $0x4000  }
0xe0: {  	[sflag:s0] =	ssyncset.done $0x0  }
0xe1: {  	s8 =	simm.s32 $0x480;
	s16 =	rddreg [dreg:$0x8];
	[sflag:s0] =	ssyncadd.s32 $0xFFFFC000  }
0xe2: {  	[spmem:s3] =	stream.indirect.scatter.add.f32 [tilespmem:s29], [sflag:$0xB], $0x80, s8, s28, $0xb8;
	[tilespmem:$0x1C800] =	vst v63  }
0xe3: {  	s16 =	sadd.s32 s14, s16  }
0xe4: {  	[tilespmem:s21], [sflag:$0x4] =	stream.linear.gather [hbm4b:s16+s4], $0x100, $0x38;
	[tilespmem:$0x1C800] =	vst v63  }
0xe5: {  	_ =	swait.ge [sflag:s17], $0x100  }
0xe6: {  	[sflag:s17] =	ssyncset.done $0x0  }
0xe7: {  	[sflag:s17] =	ssyncadd.s32 $0xFFFFFF00  }
0xe8: {  	_ =	swait.ge [sflag:s2], $0x4000  }
0xe9: {  	[sflag:s2] =	ssyncset.done $0x0  }
0xea: {  	[sflag:s2] =	ssyncadd.s32 $0xFFFFC000  }
0xeb: {  	[tilespmem:s29], [sflag:$0x9] =	stream.indirect.gather [hbm4b:s5+s28], $0x80, s24, s28, $0xb8;
	[tilespmem:$0x1C800] =	vst v63  }
0xec: {  	_ =	swait.ge [sflag:s6], $0x4000  }
0xed: {  	[sflag:s6] =	ssyncset.done $0x0  }
0xee: {  	s8 =	simm.s32 $0x580;
	s16 =	rddreg [dreg:$0x7];
	[sflag:s6] =	ssyncadd.s32 $0xFFFFC000  }
0xef: {  	[spmem:s3] =	stream.indirect.scatter.add.f32 [tilespmem:s31], [sflag:$0xC], $0x80, s8, s28, $0xb8;
	[tilespmem:$0x1C800] =	vst v63  }
0xf0: {  	s16 =	sadd.s32 s14, s16  }
0xf1: {  	[tilespmem:s22], [sflag:$0x5] =	stream.linear.gather [hbm4b:s16+s4], $0x100, $0x38;
	[tilespmem:$0x1C800] =	vst v63  }
0xf2: {  	_ =	swait.ge [sflag:s7], $0x100  }
0xf3: {  	[sflag:s7] =	ssyncset.done $0x0  }
0xf4: {  	[sflag:s7] =	ssyncadd.s32 $0xFFFFFF00  }
0xf5: {  	_ =	swait.ge [sflag:s11], $0x4000  }
0xf6: {  	[sflag:s11] =	ssyncset.done $0x0  }
0xf7: {  	[sflag:s11] =	ssyncadd.s32 $0xFFFFC000  }
0xf8: {  	[tilespmem:s31], [sflag:$0xA] =	stream.indirect.gather [hbm4b:s5+s28], $0x80, s25, s28, $0xb8;
	[tilespmem:$0x1C800] =	vst v63  }
0xf9: {  	_ =	swait.ge [sflag:s0], $0x4000  }
0xfa: {  	[sflag:s0] =	ssyncset.done $0x0  }
0xfb: {  	s8 =	rddreg [dreg:$0x6];
	[sflag:s0] =	ssyncadd.s32 $0xFFFFC000  }
0xfc: {  	[spmem:s3] =	stream.indirect.scatter.add.f32 [tilespmem:s29], [sflag:$0xB], $0x80, s18, s28, $0xb8;
	[tilespmem:$0x1C800] =	vst v63  }
0xfd: {  	s16 =	sadd.s32 s14, s8  }
0xfe: {  	[tilespmem:s23], [sflag:$0x6] =	stream.linear.gather [hbm4b:s16+s4], $0x100, $0x38;
	[tilespmem:$0x1C800] =	vst v63  }
0xff: {  	_ =	swait.ge [sflag:s26], $0x100  }
0x100: {  	[sflag:s26] =	ssyncset.done $0x0  }
0x101: {  	[sflag:s26] =	ssyncadd.s32 $0xFFFFFF00  }
0x102: {  	_ =	swait.ge [sflag:s2], $0x4000  }
0x103: {  	[sflag:s2] =	ssyncset.done $0x0  }
0x104: {  	[sflag:s2] =	ssyncadd.s32 $0xFFFFC000  }
0x105: {  	[tilespmem:s29], [sflag:$0x9] =	stream.indirect.gather [hbm4b:s5+s28], $0x80, s4, s28, $0xb8;
	[tilespmem:$0x1C800] =	vst v63  }
0x106: {  	_ =	swait.ge [sflag:s6], $0x4000  }
0x107: {  	[sflag:s6] =	ssyncset.done $0x0  }
0x108: {  	s8 =	rddreg [dreg:$0x5];
	[sflag:s6] =	ssyncadd.s32 $0xFFFFC000  }
0x109: {  	[spmem:s3] =	stream.indirect.scatter.add.f32 [tilespmem:s31], [sflag:$0xC], $0x80, s9, s28, $0xb8;
	[tilespmem:$0x1C800] =	vst v63  }
0x10a: {  	s16 =	sadd.s32 s14, s8  }
0x10b: {  	[tilespmem:s24], [sflag:$0x7] =	stream.linear.gather [hbm4b:s16+s4], $0x100, $0x38;
	[tilespmem:$0x1C800] =	vst v63  }
0x10c: {  	_ =	swait.ge [sflag:s30], $0x100  }
0x10d: {  	[sflag:s30] =	ssyncset.done $0x0  }
0x10e: {  	[sflag:s30] =	ssyncadd.s32 $0xFFFFFF00  }
0x10f: {  	_ =	swait.ge [sflag:s11], $0x4000  }
0x110: {  	[sflag:s11] =	ssyncset.done $0x0  }
0x111: {  	p0 =	sne.s32 s12, $0x800;
	[sflag:s11] =	ssyncadd.s32 $0xFFFFC000  }
0x112: {  	[tilespmem:s31], [sflag:$0xA] =	stream.indirect.gather [hbm4b:s5+s28], $0x80, s19, s28, $0xb8;
	[tilespmem:$0x1C800] =	vst v63  }
.Ltmp0:
0x113: {  	_ = 	snop;
	(pc) =	sbr.rel @p0 .LBB2_2-.Ltmp0, $4  }
0x114: {  	_ =	swait.ge [sflag:s0], $0x4000  }
0x115: {  	[sflag:s0] =	ssyncset.done $0x0;
	s8 =	rddreg [dreg:$0x4]  }
0x116: {  	s12 =	sadd.s32 $0x100, s12;
	[sflag:s0] =	ssyncadd.s32 $0xFFFFC000;
	s14 =	sadd.s32 s14, s8  }
0x117: {  	[spmem:s3] =	stream.indirect.scatter.add.f32 [tilespmem:s29], [sflag:$0xB], $0x80, s28, s28, $0xb8;
	[tilespmem:$0x1C800] =	vst v63  }
0x118: {  	[tilespmem:s25], [sflag:$0x8] =	stream.linear.gather [hbm4b:s14+s4], $0x100, $0x38;
	[tilespmem:$0x1C800] =	vst v63  }
0x119: {  	_ =	swait.ge [sflag:s1], $0x100  }
0x11a: {  	[sflag:s1] =	ssyncset.done $0x0  }
0x11b: {  	[sflag:s1] =	ssyncadd.s32 $0xFFFFFF00  }
0x11c: {  	_ =	swait.ge [sflag:s2], $0x4000  }
0x11d: {  	[sflag:s2] =	ssyncset.done $0x0  }
0x11e: {  	[sflag:s2] =	ssyncadd.s32 $0xFFFFC000  }
0x11f: {  	[tilespmem:s29], [sflag:$0x9] =	stream.indirect.gather [hbm4b:s5+s28], $0x80, s20, s28, $0xb8;
	[tilespmem:$0x1C800] =	vst v63  }
0x120: {  	_ =	swait.ge [sflag:s6], $0x4000  }
0x121: {  	[sflag:s6] =	ssyncset.done $0x0  }
0x122: {  	s12 =	simm.s32 $0x180;
	[sflag:s6] =	ssyncadd.s32 $0xFFFFC000  }
0x123: {  	[spmem:s3] =	stream.indirect.scatter.add.f32 [tilespmem:s31], [sflag:$0xC], $0x80, s12, s28, $0xb8;
	[tilespmem:$0x1C800] =	vst v63  }
0x124: {  	_ =	swait.ge [sflag:s10], $0x100  }
0x125: {  	[sflag:s10] =	ssyncset.done $0x0  }
0x126: {  	[sflag:s10] =	ssyncadd.s32 $0xFFFFFF00  }
0x127: {  	_ =	swait.ge [sflag:s11], $0x4000  }
0x128: {  	[sflag:s11] =	ssyncset.done $0x0  }
0x129: {  	[sflag:s11] =	ssyncadd.s32 $0xFFFFC000  }
0x12a: {  	[tilespmem:s31], [sflag:$0xA] =	stream.indirect.gather [hbm4b:s5+s28], $0x80, s21, s28, $0xb8;
	[tilespmem:$0x1C800] =	vst v63  }
0x12b: {  	_ =	swait.ge [sflag:s0], $0x4000  }
0x12c: {  	[sflag:s0] =	ssyncset.done $0x0  }
0x12d: {  	s8 =	simm.s32 $0x280;
	[sflag:s0] =	ssyncadd.s32 $0xFFFFC000  }
0x12e: {  	[spmem:s3] =	stream.indirect.scatter.add.f32 [tilespmem:s29], [sflag:$0xB], $0x80, s8, s28, $0xb8;
	[tilespmem:$0x1C800] =	vst v63  }
0x12f: {  	_ =	swait.ge [sflag:s13], $0x100  }
0x130: {  	[sflag:s13] =	ssyncset.done $0x0  }
0x131: {  	[sflag:s13] =	ssyncadd.s32 $0xFFFFFF00  }
0x132: {  	_ =	swait.ge [sflag:s2], $0x4000  }
0x133: {  	[sflag:s2] =	ssyncset.done $0x0  }
0x134: {  	[sflag:s2] =	ssyncadd.s32 $0xFFFFC000  }
0x135: {  	[tilespmem:s29], [sflag:$0x9] =	stream.indirect.gather [hbm4b:s5+s28], $0x80, s22, s28, $0xb8;
	[tilespmem:$0x1C800] =	vst v63  }
0x136: {  	_ =	swait.ge [sflag:s6], $0x4000  }
0x137: {  	[sflag:s6] =	ssyncset.done $0x0  }
0x138: {  	s12 =	simm.s32 $0x380;
	[sflag:s6] =	ssyncadd.s32 $0xFFFFC000  }
0x139: {  	[spmem:s3] =	stream.indirect.scatter.add.f32 [tilespmem:s31], [sflag:$0xC], $0x80, s12, s28, $0xb8;
	[tilespmem:$0x1C800] =	vst v63  }
0x13a: {  	_ =	swait.ge [sflag:s15], $0x100  }
0x13b: {  	[sflag:s15] =	ssyncset.done $0x0  }
0x13c: {  	[sflag:s15] =	ssyncadd.s32 $0xFFFFFF00  }
0x13d: {  	_ =	swait.ge [sflag:s11], $0x4000  }
0x13e: {  	[sflag:s11] =	ssyncset.done $0x0  }
0x13f: {  	[sflag:s11] =	ssyncadd.s32 $0xFFFFC000  }
0x140: {  	[tilespmem:s31], [sflag:$0xA] =	stream.indirect.gather [hbm4b:s5+s28], $0x80, s23, s28, $0xb8;
	[tilespmem:$0x1C800] =	vst v63  }
0x141: {  	_ =	swait.ge [sflag:s0], $0x4000  }
0x142: {  	[sflag:s0] =	ssyncset.done $0x0  }
0x143: {  	s14 =	simm.s32 $0x480;
	[sflag:s0] =	ssyncadd.s32 $0xFFFFC000  }
0x144: {  	[spmem:s3] =	stream.indirect.scatter.add.f32 [tilespmem:s29], [sflag:$0xB], $0x80, s14, s28, $0xb8;
	[tilespmem:$0x1C800] =	vst v63  }
0x145: {  	_ =	swait.ge [sflag:s17], $0x100  }
0x146: {  	[sflag:s17] =	ssyncset.done $0x0  }
0x147: {  	[sflag:s17] =	ssyncadd.s32 $0xFFFFFF00  }
0x148: {  	_ =	swait.ge [sflag:s2], $0x4000  }
0x149: {  	[sflag:s2] =	ssyncset.done $0x0  }
0x14a: {  	[sflag:s2] =	ssyncadd.s32 $0xFFFFC000  }
0x14b: {  	[tilespmem:s29], [sflag:$0x9] =	stream.indirect.gather [hbm4b:s5+s28], $0x80, s24, s28, $0xb8;
	[tilespmem:$0x1C800] =	vst v63  }
0x14c: {  	_ =	swait.ge [sflag:s6], $0x4000  }
0x14d: {  	[sflag:s6] =	ssyncset.done $0x0  }
0x14e: {  	s16 =	simm.s32 $0x580;
	[sflag:s6] =	ssyncadd.s32 $0xFFFFC000  }
0x14f: {  	[spmem:s3] =	stream.indirect.scatter.add.f32 [tilespmem:s31], [sflag:$0xC], $0x80, s16, s28, $0xb8;
	[tilespmem:$0x1C800] =	vst v63  }
0x150: {  	_ =	swait.ge [sflag:s7], $0x100  }
0x151: {  	[sflag:s7] =	ssyncset.done $0x0  }
0x152: {  	[sflag:s7] =	ssyncadd.s32 $0xFFFFFF00  }
0x153: {  	_ =	swait.ge [sflag:s11], $0x4000  }
0x154: {  	[sflag:s11] =	ssyncset.done $0x0  }
0x155: {  	[sflag:s11] =	ssyncadd.s32 $0xFFFFC000  }
0x156: {  	[tilespmem:s31], [sflag:$0xA] =	stream.indirect.gather [hbm4b:s5+s28], $0x80, s25, s28, $0xb8;
	[tilespmem:$0x1C800] =	vst v63  }
0x157: {  	_ =	swait.ge [sflag:s0], $0x4000  }
0x158: {  	[sflag:s0] =	ssyncset.done $0x0  }
0x159: {  	[sflag:s0] =	ssyncadd.s32 $0xFFFFC000  }
0x15a: {  	[spmem:s3] =	stream.indirect.scatter.add.f32 [tilespmem:s29], [sflag:$0xB], $0x80, s18, s28, $0xb8;
	[tilespmem:$0x1C800] =	vst v63  }
0x15b: {  	_ =	swait.ge [sflag:s2], $0x4000  }
0x15c: {  	[sflag:s2] =	ssyncset.done $0x0  }
0x15d: {  	[sflag:s2] =	ssyncadd.s32 $0xFFFFC000  }
0x15e: {  	_ =	swait.ge [sflag:s6], $0x4000  }
0x15f: {  	[sflag:s6] =	ssyncset.done $0x0  }
0x160: {  	[sflag:s6] =	ssyncadd.s32 $0xFFFFC000  }
0x161: {  	[spmem:s3] =	stream.indirect.scatter.add.f32 [tilespmem:s31], [sflag:$0xC], $0x80, s9, s28, $0xb8;
	[tilespmem:$0x1C800] =	vst v63  }
0x162: {  	_ =	swait.ge [sflag:s11], $0x4000  }
0x163: {  	[sflag:s11] =	ssyncset.done $0x0  }
0x164: {  	[sflag:s11] =	ssyncadd.s32 $0xFFFFC000  }
0x165: {  	[bflag:$0x0] =	sbarrier.arrive $0xFFFF  }
0x166: {  	s14 =	rddreg [dreg:$0xd]  }
0x167: {  	s8 =	rddreg [dreg:$0x16]  }
0x168: {  	s16 =	rddreg [dreg:$0x19]  }
0x169: {  	[hbm:s8], [sflag:s14] =	dma.local [spmem:s16], $0x2800  }
0x16a: {  	s16 =	simm.s32 $0xD  }
0x16b: {  	_ =	swait.ge [sflag:s16], $0x2800  }
0x16c: {  	s12 =	rddreg [dreg:$0x18]  }
0x16d: {  	s8 =	sadd.s32 $0x1, s12;
	s12 =	rddreg [dreg:$0x17]  }
0x16e: {  	p0 =	sne.s32 s8, s12  }
.Ltmp1:
0x16f: {  	_ = 	snop;
	(pc) =	sbr.rel @p0 .LBB2_1-.Ltmp1, $3  }
0x170: {  	_ =	sdelay $0x1  }
0x171: {  	[sflag:s16] =	ssyncset.done $0x0  }
0x172: {  	[sflag:s16] =	ssyncadd.s32 $0xFFFFD800  }
0x173: {  	_ =	sfence.sel $0x180000  }
0x174: {  	[bflag:$0x0] =	sbarrier.arrive $0xFFFF  }
0x175: {  	_ =	strace $0x9000004A  }
0x176: {  	s0 =	stileid.u32;
	[bflag:$0x2] =	sbarrier.arrive $0xFFFF  }
0x177: {  	p0 =	sne.s32 s0, $0x0;
	s0 =	rddreg [dreg:$0x3]  }
0x178: {  	s0 =	sadd.s32 @!p0 $0x100000, s0  }
0x179: {  	[sflag:s0] =	ssyncadd.tile.s32 @!p0 $0x1;
	_ =	shalt  }
.Lfunc_end2:
_tile_overlayer_lowered:
.L_overlay_start_2:
0x17a: {  	(tag) =	ssettag $0x2  }
0x17b: {  	s0 =	rddreg [dreg:$0x0];
	s2 =	stileid.u32  }
0x17c: {  	s1 =	rddreg [dreg:$0x1];
	p0 =	sne.s32 s2, $0x0  }
0x17d: {  	s3 =	rddreg [dreg:$0x2];
	[bflag:$0x3] =	sbarrier.arrive $0xFFFF;
	s2 =	simm.s32 @!p0 $0x1C0D  }
0x17e: {  	[timem:s3], [sflag:s2] =	dma.local @!p0 [hbm:s0], s1  }
0x17f: {  	s0 =	simm.s32 @!p0 $0xD  }
0x180: {  	_ =	swait.ge @!p0 [sflag:s0], s1  }
0x181: {  	s1 =	ssub.s32 @!p0 $0x0, s1;
	[sflag:s0] =	ssyncset.done @!p0 $0x0  }
0x182: {  	[sflag:s0] =	ssyncadd.s32 @!p0 s1  }
0x183: {  	[bflag:$0x3] =	sbarrier.arrive $0xFFFF  }
0x184: {  	_ =	shalt  }

</sc_bundles>
